<compile_context>
chip_gen: v7x
topology: tpu7x:2x2x1
jax: 0.10.2.dev20260603
libtpu: 0.0.44.dev20260713+nightly
codegen_flags: <defaults>
</compile_context>

<pallas_src>
import functools

import jax
import jax.numpy as jnp
from jax import lax
from jax.experimental import pallas as pl
from jax.experimental.pallas import tpu as pltpu
from jax.experimental.pallas import tpu_sc as plsc

_VOCAB = 100000
_DIM = 1024
_BATCH = 4
_SEQ = 4096
_NTOK = _BATCH * _SEQ

_NC = 2
_NS = 16
_NW = _NC * _NS
_TOK_PER_W = _NTOK // _NW
_CHUNK = 8
_NCHUNK = _TOK_PER_W // _CHUNK
_NBUF = 8
_NGROUP = _NCHUNK // _NBUF
_IDX_HEAD = 2 * _NBUF * _CHUNK


def _emb_body(idx_hbm, table_hbm, out_hbm, idx_v, rows_v, isem,
              gsem0, gsem1, gsem2, gsem3, gsem4, gsem5, gsem6, gsem7,
              ssem0, ssem1, ssem2, ssem3, ssem4, ssem5, ssem6, ssem7):
    wid = lax.axis_index("s") * _NC + lax.axis_index("c")
    wper = _SEQ // _TOK_PER_W
    row = wid // wper
    col = (wid % wper) * _TOK_PER_W
    pltpu.sync_copy(idx_hbm.at[row, pl.ds(col, _IDX_HEAD)],
                    idx_v.at[pl.ds(0, _IDX_HEAD)])
    idx_rest = pltpu.async_copy(
        idx_hbm.at[row, pl.ds(col + _IDX_HEAD, _TOK_PER_W - _IDX_HEAD)],
        idx_v.at[pl.ds(_IDX_HEAD, _TOK_PER_W - _IDX_HEAD)], isem)

    gsems = (gsem0, gsem1, gsem2, gsem3, gsem4, gsem5, gsem6, gsem7)
    ssems = (ssem0, ssem1, ssem2, ssem3, ssem4, ssem5, ssem6, ssem7)

    def gdesc(j, b):
        return pltpu.make_async_copy(
            table_hbm.at[idx_v.at[pl.ds(j * _CHUNK, _CHUNK)]],
            rows_v.at[b], gsems[b])

    def sdesc(j, b):
        return pltpu.make_async_copy(
            rows_v.at[b],
            out_hbm.at[row, pl.ds(col + j * _CHUNK, _CHUNK)],
            ssems[b])

    for b in range(_NBUF - 1):
        gdesc(b, b).start()
    idx_rest.wait()

    @pl.loop(0, _NGROUP)
    def _lap(g):
        j0 = g * _NBUF
        for b in range(_NBUF):
            j = j0 + b
            pb = (b - 1) % _NBUF
            gdesc(j, b).wait()
            if b == 0:
                @pl.when(g > 0)
                def _():
                    sdesc(j - 1, pb).wait()

                gdesc(j + _NBUF - 1, pb).start()
            else:
                sdesc(j - 1, pb).wait()

                @pl.when(g < _NGROUP - 1)
                def _():
                    gdesc(j + _NBUF - 1, pb).start()
            sdesc(j, b).start()

    sdesc(_NCHUNK - 1, (_NBUF - 1) % _NBUF).wait()


@functools.partial(jax.jit, static_argnames=())
def _emb(idx2d, weight):
    mesh = plsc.VectorSubcoreMesh(core_axis_name="c", subcore_axis_name="s")
    kern = pl.kernel(
        _emb_body,
        out_type=jax.ShapeDtypeStruct((_BATCH, _SEQ, _DIM), jnp.float32),
        mesh=mesh,
        scratch_types=[
            pltpu.VMEM((_TOK_PER_W,), jnp.int32),
            pltpu.VMEM((_NBUF, _CHUNK, _DIM), jnp.float32),
            pltpu.SemaphoreType.DMA,
            pltpu.SemaphoreType.DMA,
            pltpu.SemaphoreType.DMA,
            pltpu.SemaphoreType.DMA,
            pltpu.SemaphoreType.DMA,
            pltpu.SemaphoreType.DMA,
            pltpu.SemaphoreType.DMA,
            pltpu.SemaphoreType.DMA,
            pltpu.SemaphoreType.DMA,
            pltpu.SemaphoreType.DMA,
            pltpu.SemaphoreType.DMA,
            pltpu.SemaphoreType.DMA,
            pltpu.SemaphoreType.DMA,
            pltpu.SemaphoreType.DMA,
            pltpu.SemaphoreType.DMA,
            pltpu.SemaphoreType.DMA,
            pltpu.SemaphoreType.DMA,
        ],
    )
    return kern(idx2d, weight)


def kernel(indices, weight):
    return _emb(indices.astype(jnp.int32), weight)

# --- scband reference (transcript-rebuilt; emitter-appended) ---
"""Pipeline reference for scband-vocab-embedding-26809185861857 (READ-ONLY COPY).

The authoritative reference and input builder live on the scoring server;
editing this copy changes nothing except your own understanding.
"""

import jax, jax.numpy as jnp
import numpy as np

VOCAB = 100000
DIM = 1024
BATCH = 4
SEQ = 4096


def setup_inputs(seed: int = 0) -> dict:
    key = jax.random.key(seed)
    k_idx, k_w = jax.random.split(key)
    indices = jax.random.randint(k_idx, (BATCH, SEQ), 0, VOCAB, dtype=jnp.int64)
    # embedding table parameter (nrows=vocab_size, ncols=dim since vocab_parallel=False, tp_size=1)
    weight = jax.random.normal(k_w, (VOCAB, DIM), dtype=jnp.float32) * 0.02
    return {"indices": indices, "weight": weight}


def reference(indices, weight):
    # VocabEmbedding forward: plain embedding lookup into the weight table
    out = jnp.take(weight, indices, axis=0)  # [B, S, D]
    return out

if __name__ == "__main__":
    import jax
    _d = setup_inputs()
    print(jax.jit(kernel)(*tuple(_d.values())))

</pallas_src>

<mosaic_0001>
#map = affine_map<(d0, d1) -> (0, 0)>
#map1 = affine_map<(d0, d1) -> (0, 0, 0)>
module attributes {stable_mosaic.version = 14 : i64} {
  func.func @_emb_body(%arg0: i32, %arg1: i32, %arg2: memref<4x4096xi32, #tpu.memory_space<hbm>>, %arg3: memref<100000x1024xf32, #tpu.memory_space<hbm>>, %arg4: memref<4x4096x1024xf32, #tpu.memory_space<hbm>>, %arg5: memref<512xi32, #tpu.memory_space<vmem>>, %arg6: memref<8x8x1024xf32, #tpu.memory_space<vmem>>, %arg7: memref<!tpu.dma_semaphore, #tpu.memory_space<semaphore_mem>>, %arg8: memref<!tpu.dma_semaphore, #tpu.memory_space<semaphore_mem>>, %arg9: memref<!tpu.dma_semaphore, #tpu.memory_space<semaphore_mem>>, %arg10: memref<!tpu.dma_semaphore, #tpu.memory_space<semaphore_mem>>, %arg11: memref<!tpu.dma_semaphore, #tpu.memory_space<semaphore_mem>>, %arg12: memref<!tpu.dma_semaphore, #tpu.memory_space<semaphore_mem>>, %arg13: memref<!tpu.dma_semaphore, #tpu.memory_space<semaphore_mem>>, %arg14: memref<!tpu.dma_semaphore, #tpu.memory_space<semaphore_mem>>, %arg15: memref<!tpu.dma_semaphore, #tpu.memory_space<semaphore_mem>>, %arg16: memref<!tpu.dma_semaphore, #tpu.memory_space<semaphore_mem>>, %arg17: memref<!tpu.dma_semaphore, #tpu.memory_space<semaphore_mem>>, %arg18: memref<!tpu.dma_semaphore, #tpu.memory_space<semaphore_mem>>, %arg19: memref<!tpu.dma_semaphore, #tpu.memory_space<semaphore_mem>>, %arg20: memref<!tpu.dma_semaphore, #tpu.memory_space<semaphore_mem>>, %arg21: memref<!tpu.dma_semaphore, #tpu.memory_space<semaphore_mem>>, %arg22: memref<!tpu.dma_semaphore, #tpu.memory_space<semaphore_mem>>, %arg23: memref<!tpu.dma_semaphore, #tpu.memory_space<semaphore_mem>>) attributes {dimension_semantics = [#tpu.dimension_semantics<core_parallel>, #tpu.dimension_semantics<subcore_parallel>], iteration_bounds = array<i64: 2, 16>, scalar_prefetch = 0 : i64, scratch_operands = 19 : i64, tpu.core_type = #tpu.core_type<sc_vector_subcore>, window_params = [{transform_indices = #map}, {transform_indices = #map}, {transform_indices = #map1}]} {
    %mul3A = arith.constant 2 : i32
    %mul3A_0 = arith.muli %arg1, %mul3A : i32
    %add3A = arith.addi %mul3A_0, %arg0 : i32
    %jit3A = arith.constant 8 : i32
    %div3A = arith.divsi %add3A, %jit3A : i32
    %sign3A = arith.constant 0 : i32
    %sign3A_1 = arith.cmpi sgt, %add3A, %sign3A : i32
    %sign3A_2 = arith.extui %sign3A_1 : i1 to i32
    %sign3A_3 = arith.constant 0 : i32
    %sign3A_4 = arith.cmpi slt, %add3A, %sign3A_3 : i32
    %sign3A_5 = arith.extui %sign3A_4 : i1 to i32
    %sign3A_6 = arith.subi %sign3A_2, %sign3A_5 : i32
    %sign3A_7 = arith.constant 0 : i32
    %sign3A_8 = arith.cmpi sgt, %jit3A, %sign3A_7 : i32
    %sign3A_9 = arith.extui %sign3A_8 : i1 to i32
    %sign3A_10 = arith.constant 0 : i32
    %sign3A_11 = arith.cmpi slt, %jit3A, %sign3A_10 : i32
    %sign3A_12 = arith.extui %sign3A_11 : i1 to i32
    %sign3A_13 = arith.subi %sign3A_9, %sign3A_12 : i32
    %ne3A = arith.cmpi ne, %sign3A_6, %sign3A_13 : i32
    %rem3A = arith.remsi %add3A, %jit3A : i32
    %ne3A_14 = arith.constant 0 : i32
    %ne3A_15 = arith.cmpi ne, %rem3A, %ne3A_14 : i32
    %and3A = arith.andi %ne3A, %ne3A_15 : i1
    %sub3A = arith.constant 1 : i32
    %sub3A_16 = arith.subi %div3A, %sub3A : i32
    %select_n3A = arith.select %and3A, %sub3A_16, %div3A : i32
    %jit3A_17 = arith.constant 8 : i32
    %eq3A = arith.constant 0 : i32
    %eq3A_18 = arith.cmpi eq, %jit3A_17, %eq3A : i32
    %jit3A_19 = arith.constant 1 : i32
    %select_n3A_20 = arith.select %eq3A_18, %jit3A_19, %jit3A_17 : i32
    %rem3A_21 = arith.remsi %add3A, %select_n3A_20 : i32
    %ne3A_22 = arith.constant 0 : i32
    %ne3A_23 = arith.cmpi ne, %rem3A_21, %ne3A_22 : i32
    %lt3A = arith.constant 0 : i32
    %lt3A_24 = arith.cmpi slt, %rem3A_21, %lt3A : i32
    %lt3A_25 = arith.constant 0 : i32
    %lt3A_26 = arith.cmpi slt, %select_n3A_20, %lt3A_25 : i32
    %ne3A_27 = arith.xori %lt3A_24, %lt3A_26 : i1
    %and3A_28 = arith.andi %ne3A_27, %ne3A_23 : i1
    %add3A_29 = arith.addi %rem3A_21, %select_n3A_20 : i32
    %select_n3A_30 = arith.select %and3A_28, %add3A_29, %rem3A_21 : i32
    %mul3A_31 = arith.constant 512 : i32
    %mul3A_32 = arith.muli %select_n3A_30, %mul3A_31 : i32
    "tpu.region"() ({
      %run_scoped3A = tpu.sem_alloc : memref<!tpu.dma_semaphore, #tpu.memory_space<semaphore_mem>>
      %dma_start3A_140 = arith.constant 0 : i32
      %dma_start3A_141 = tpu.memref_slice %arg5[%dma_start3A_140] : memref<512xi32, #tpu.memory_space<vmem>> -> memref<128xi32, #tpu.memory_space<vmem>>
      %dma_start3A_142 = tpu.memref_slice %arg2[%select_n3A, %mul3A_32] : memref<4x4096xi32, #tpu.memory_space<hbm>> -> memref<1x128xi32, #tpu.memory_space<hbm>>
      %dma_start3A_143 = tpu.memref_squeeze %dma_start3A_142 : memref<1x128xi32, #tpu.memory_space<hbm>> -> memref<128xi32, #tpu.memory_space<hbm>>
      %dma_start3A_144 = arith.constant 0 : i32
      %dma_start3A_145 = tpu.memref_slice %arg5[%dma_start3A_144] : memref<512xi32, #tpu.memory_space<vmem>> -> memref<128xi32, #tpu.memory_space<vmem>>
      %dma_start3A_146 = tpu.memref_slice %arg2[%select_n3A, %mul3A_32] : memref<4x4096xi32, #tpu.memory_space<hbm>> -> memref<1x128xi32, #tpu.memory_space<hbm>>
      %dma_start3A_147 = tpu.memref_squeeze %dma_start3A_146 : memref<1x128xi32, #tpu.memory_space<hbm>> -> memref<128xi32, #tpu.memory_space<hbm>>
      tpu.enqueue_dma source(%dma_start3A_147 : memref<128xi32, #tpu.memory_space<hbm>>) target(%dma_start3A_145 : memref<128xi32, #tpu.memory_space<vmem>>) target_semaphore(%run_scoped3A : memref<!tpu.dma_semaphore, #tpu.memory_space<semaphore_mem>>)
      %dma_wait3A_148 = arith.constant 0 : i32
      %dma_wait3A_149 = tpu.memref_slice %arg5[%dma_wait3A_148] : memref<512xi32, #tpu.memory_space<vmem>> -> memref<128xi32, #tpu.memory_space<vmem>>
      %dma_wait3A_150 = tpu.memref_slice %arg2[%select_n3A, %mul3A_32] : memref<4x4096xi32, #tpu.memory_space<hbm>> -> memref<1x128xi32, #tpu.memory_space<hbm>>
      %dma_wait3A_151 = tpu.memref_squeeze %dma_wait3A_150 : memref<1x128xi32, #tpu.memory_space<hbm>> -> memref<128xi32, #tpu.memory_space<hbm>>
      %dma_wait3A_152 = arith.constant 0 : i32
      %dma_wait3A_153 = tpu.memref_slice %arg5[%dma_wait3A_152] : memref<512xi32, #tpu.memory_space<vmem>> -> memref<128xi32, #tpu.memory_space<vmem>>
      %dma_wait3A_154 = tpu.memref_slice %arg2[%select_n3A, %mul3A_32] : memref<4x4096xi32, #tpu.memory_space<hbm>> -> memref<1x128xi32, #tpu.memory_space<hbm>>
      %dma_wait3A_155 = tpu.memref_squeeze %dma_wait3A_154 : memref<1x128xi32, #tpu.memory_space<hbm>> -> memref<128xi32, #tpu.memory_space<hbm>>
      tpu.wait_dma2 semaphore(%run_scoped3A : memref<!tpu.dma_semaphore, #tpu.memory_space<semaphore_mem>>) src(%dma_wait3A_155 : memref<128xi32, #tpu.memory_space<hbm>>) dst(%dma_wait3A_153 : memref<128xi32, #tpu.memory_space<vmem>>)
      tpu.yield
    }) : () -> ()
    %add3A_33 = arith.constant 128 : i32
    %add3A_34 = arith.addi %mul3A_32, %add3A_33 : i32
    %dma_start3A = arith.constant 128 : i32
    %dma_start3A_35 = tpu.memref_slice %arg5[%dma_start3A] : memref<512xi32, #tpu.memory_space<vmem>> -> memref<384xi32, #tpu.memory_space<vmem>>
    %dma_start3A_36 = tpu.memref_slice %arg2[%select_n3A, %add3A_34] : memref<4x4096xi32, #tpu.memory_space<hbm>> -> memref<1x384xi32, #tpu.memory_space<hbm>>
    %dma_start3A_37 = tpu.memref_squeeze %dma_start3A_36 : memref<1x384xi32, #tpu.memory_space<hbm>> -> memref<384xi32, #tpu.memory_space<hbm>>
    %dma_start3A_38 = arith.constant 128 : i32
    %dma_start3A_39 = tpu.memref_slice %arg5[%dma_start3A_38] : memref<512xi32, #tpu.memory_space<vmem>> -> memref<384xi32, #tpu.memory_space<vmem>>
    %dma_start3A_40 = tpu.memref_slice %arg2[%select_n3A, %add3A_34] : memref<4x4096xi32, #tpu.memory_space<hbm>> -> memref<1x384xi32, #tpu.memory_space<hbm>>
    %dma_start3A_41 = tpu.memref_squeeze %dma_start3A_40 : memref<1x384xi32, #tpu.memory_space<hbm>> -> memref<384xi32, #tpu.memory_space<hbm>>
    tpu.enqueue_dma source(%dma_start3A_41 : memref<384xi32, #tpu.memory_space<hbm>>) target(%dma_start3A_39 : memref<384xi32, #tpu.memory_space<vmem>>) target_semaphore(%arg7 : memref<!tpu.dma_semaphore, #tpu.memory_space<semaphore_mem>>)
    %dma_start3A_42 = arith.constant 0 : i32
    %dma_start3A_43 = arith.constant 0 : i32
    %dma_start3A_44 = arith.constant 0 : i32
    %dma_start3A_45 = tpu.memref_slice %arg6[%dma_start3A_42, %dma_start3A_43, %dma_start3A_44] : memref<8x8x1024xf32, #tpu.memory_space<vmem>> -> memref<1x8x1024xf32, #tpu.memory_space<vmem>>
    %dma_start3A_46 = tpu.memref_squeeze %dma_start3A_45 : memref<1x8x1024xf32, #tpu.memory_space<vmem>> -> memref<8x1024xf32, #tpu.memory_space<vmem>>
    %dma_start3A_47 = arith.constant 0 : i32
    %dma_start3A_48 = tpu.memref_slice %arg5[%dma_start3A_47] : memref<512xi32, #tpu.memory_space<vmem>> -> memref<8xi32, #tpu.memory_space<vmem>>
    %dma_start3A_49 = arith.constant 0 : i32
    %dma_start3A_50 = arith.constant 0 : i32
    %dma_start3A_51 = tpu.memref_slice %arg3[%dma_start3A_49, %dma_start3A_50] : memref<100000x1024xf32, #tpu.memory_space<hbm>> -> memref<100000x1024xf32, #tpu.memory_space<hbm>>
    tpu.enqueue_indirect_dma source(%dma_start3A_51 : memref<100000x1024xf32, #tpu.memory_space<hbm>>) target(%dma_start3A_46 : memref<8x1024xf32, #tpu.memory_space<vmem>>) offsets(%dma_start3A_48 : memref<8xi32, #tpu.memory_space<vmem>>) semaphore(%arg8 : memref<!tpu.dma_semaphore, #tpu.memory_space<semaphore_mem>>)
    %dma_start3A_52 = arith.constant 1 : i32
    %dma_start3A_53 = arith.constant 0 : i32
    %dma_start3A_54 = arith.constant 0 : i32
    %dma_start3A_55 = tpu.memref_slice %arg6[%dma_start3A_52, %dma_start3A_53, %dma_start3A_54] : memref<8x8x1024xf32, #tpu.memory_space<vmem>> -> memref<1x8x1024xf32, #tpu.memory_space<vmem>>
    %dma_start3A_56 = tpu.memref_squeeze %dma_start3A_55 : memref<1x8x1024xf32, #tpu.memory_space<vmem>> -> memref<8x1024xf32, #tpu.memory_space<vmem>>
    %dma_start3A_57 = arith.constant 8 : i32
    %dma_start3A_58 = tpu.memref_slice %arg5[%dma_start3A_57] : memref<512xi32, #tpu.memory_space<vmem>> -> memref<8xi32, #tpu.memory_space<vmem>>
    %dma_start3A_59 = arith.constant 0 : i32
    %dma_start3A_60 = arith.constant 0 : i32
    %dma_start3A_61 = tpu.memref_slice %arg3[%dma_start3A_59, %dma_start3A_60] : memref<100000x1024xf32, #tpu.memory_space<hbm>> -> memref<100000x1024xf32, #tpu.memory_space<hbm>>
    tpu.enqueue_indirect_dma source(%dma_start3A_61 : memref<100000x1024xf32, #tpu.memory_space<hbm>>) target(%dma_start3A_56 : memref<8x1024xf32, #tpu.memory_space<vmem>>) offsets(%dma_start3A_58 : memref<8xi32, #tpu.memory_space<vmem>>) semaphore(%arg9 : memref<!tpu.dma_semaphore, #tpu.memory_space<semaphore_mem>>)
    %dma_start3A_62 = arith.constant 2 : i32
    %dma_start3A_63 = arith.constant 0 : i32
    %dma_start3A_64 = arith.constant 0 : i32
    %dma_start3A_65 = tpu.memref_slice %arg6[%dma_start3A_62, %dma_start3A_63, %dma_start3A_64] : memref<8x8x1024xf32, #tpu.memory_space<vmem>> -> memref<1x8x1024xf32, #tpu.memory_space<vmem>>
    %dma_start3A_66 = tpu.memref_squeeze %dma_start3A_65 : memref<1x8x1024xf32, #tpu.memory_space<vmem>> -> memref<8x1024xf32, #tpu.memory_space<vmem>>
    %dma_start3A_67 = arith.constant 16 : i32
    %dma_start3A_68 = tpu.memref_slice %arg5[%dma_start3A_67] : memref<512xi32, #tpu.memory_space<vmem>> -> memref<8xi32, #tpu.memory_space<vmem>>
    %dma_start3A_69 = arith.constant 0 : i32
    %dma_start3A_70 = arith.constant 0 : i32
    %dma_start3A_71 = tpu.memref_slice %arg3[%dma_start3A_69, %dma_start3A_70] : memref<100000x1024xf32, #tpu.memory_space<hbm>> -> memref<100000x1024xf32, #tpu.memory_space<hbm>>
    tpu.enqueue_indirect_dma source(%dma_start3A_71 : memref<100000x1024xf32, #tpu.memory_space<hbm>>) target(%dma_start3A_66 : memref<8x1024xf32, #tpu.memory_space<vmem>>) offsets(%dma_start3A_68 : memref<8xi32, #tpu.memory_space<vmem>>) semaphore(%arg10 : memref<!tpu.dma_semaphore, #tpu.memory_space<semaphore_mem>>)
    %dma_start3A_72 = arith.constant 3 : i32
    %dma_start3A_73 = arith.constant 0 : i32
    %dma_start3A_74 = arith.constant 0 : i32
    %dma_start3A_75 = tpu.memref_slice %arg6[%dma_start3A_72, %dma_start3A_73, %dma_start3A_74] : memref<8x8x1024xf32, #tpu.memory_space<vmem>> -> memref<1x8x1024xf32, #tpu.memory_space<vmem>>
    %dma_start3A_76 = tpu.memref_squeeze %dma_start3A_75 : memref<1x8x1024xf32, #tpu.memory_space<vmem>> -> memref<8x1024xf32, #tpu.memory_space<vmem>>
    %dma_start3A_77 = arith.constant 24 : i32
    %dma_start3A_78 = tpu.memref_slice %arg5[%dma_start3A_77] : memref<512xi32, #tpu.memory_space<vmem>> -> memref<8xi32, #tpu.memory_space<vmem>>
    %dma_start3A_79 = arith.constant 0 : i32
    %dma_start3A_80 = arith.constant 0 : i32
    %dma_start3A_81 = tpu.memref_slice %arg3[%dma_start3A_79, %dma_start3A_80] : memref<100000x1024xf32, #tpu.memory_space<hbm>> -> memref<100000x1024xf32, #tpu.memory_space<hbm>>
    tpu.enqueue_indirect_dma source(%dma_start3A_81 : memref<100000x1024xf32, #tpu.memory_space<hbm>>) target(%dma_start3A_76 : memref<8x1024xf32, #tpu.memory_space<vmem>>) offsets(%dma_start3A_78 : memref<8xi32, #tpu.memory_space<vmem>>) semaphore(%arg11 : memref<!tpu.dma_semaphore, #tpu.memory_space<semaphore_mem>>)
    %dma_start3A_82 = arith.constant 4 : i32
    %dma_start3A_83 = arith.constant 0 : i32
    %dma_start3A_84 = arith.constant 0 : i32
    %dma_start3A_85 = tpu.memref_slice %arg6[%dma_start3A_82, %dma_start3A_83, %dma_start3A_84] : memref<8x8x1024xf32, #tpu.memory_space<vmem>> -> memref<1x8x1024xf32, #tpu.memory_space<vmem>>
    %dma_start3A_86 = tpu.memref_squeeze %dma_start3A_85 : memref<1x8x1024xf32, #tpu.memory_space<vmem>> -> memref<8x1024xf32, #tpu.memory_space<vmem>>
    %dma_start3A_87 = arith.constant 32 : i32
    %dma_start3A_88 = tpu.memref_slice %arg5[%dma_start3A_87] : memref<512xi32, #tpu.memory_space<vmem>> -> memref<8xi32, #tpu.memory_space<vmem>>
    %dma_start3A_89 = arith.constant 0 : i32
    %dma_start3A_90 = arith.constant 0 : i32
    %dma_start3A_91 = tpu.memref_slice %arg3[%dma_start3A_89, %dma_start3A_90] : memref<100000x1024xf32, #tpu.memory_space<hbm>> -> memref<100000x1024xf32, #tpu.memory_space<hbm>>
    tpu.enqueue_indirect_dma source(%dma_start3A_91 : memref<100000x1024xf32, #tpu.memory_space<hbm>>) target(%dma_start3A_86 : memref<8x1024xf32, #tpu.memory_space<vmem>>) offsets(%dma_start3A_88 : memref<8xi32, #tpu.memory_space<vmem>>) semaphore(%arg12 : memref<!tpu.dma_semaphore, #tpu.memory_space<semaphore_mem>>)
    %dma_start3A_92 = arith.constant 5 : i32
    %dma_start3A_93 = arith.constant 0 : i32
    %dma_start3A_94 = arith.constant 0 : i32
    %dma_start3A_95 = tpu.memref_slice %arg6[%dma_start3A_92, %dma_start3A_93, %dma_start3A_94] : memref<8x8x1024xf32, #tpu.memory_space<vmem>> -> memref<1x8x1024xf32, #tpu.memory_space<vmem>>
    %dma_start3A_96 = tpu.memref_squeeze %dma_start3A_95 : memref<1x8x1024xf32, #tpu.memory_space<vmem>> -> memref<8x1024xf32, #tpu.memory_space<vmem>>
    %dma_start3A_97 = arith.constant 40 : i32
    %dma_start3A_98 = tpu.memref_slice %arg5[%dma_start3A_97] : memref<512xi32, #tpu.memory_space<vmem>> -> memref<8xi32, #tpu.memory_space<vmem>>
    %dma_start3A_99 = arith.constant 0 : i32
    %dma_start3A_100 = arith.constant 0 : i32
    %dma_start3A_101 = tpu.memref_slice %arg3[%dma_start3A_99, %dma_start3A_100] : memref<100000x1024xf32, #tpu.memory_space<hbm>> -> memref<100000x1024xf32, #tpu.memory_space<hbm>>
    tpu.enqueue_indirect_dma source(%dma_start3A_101 : memref<100000x1024xf32, #tpu.memory_space<hbm>>) target(%dma_start3A_96 : memref<8x1024xf32, #tpu.memory_space<vmem>>) offsets(%dma_start3A_98 : memref<8xi32, #tpu.memory_space<vmem>>) semaphore(%arg13 : memref<!tpu.dma_semaphore, #tpu.memory_space<semaphore_mem>>)
    %dma_start3A_102 = arith.constant 6 : i32
    %dma_start3A_103 = arith.constant 0 : i32
    %dma_start3A_104 = arith.constant 0 : i32
    %dma_start3A_105 = tpu.memref_slice %arg6[%dma_start3A_102, %dma_start3A_103, %dma_start3A_104] : memref<8x8x1024xf32, #tpu.memory_space<vmem>> -> memref<1x8x1024xf32, #tpu.memory_space<vmem>>
    %dma_start3A_106 = tpu.memref_squeeze %dma_start3A_105 : memref<1x8x1024xf32, #tpu.memory_space<vmem>> -> memref<8x1024xf32, #tpu.memory_space<vmem>>
    %dma_start3A_107 = arith.constant 48 : i32
    %dma_start3A_108 = tpu.memref_slice %arg5[%dma_start3A_107] : memref<512xi32, #tpu.memory_space<vmem>> -> memref<8xi32, #tpu.memory_space<vmem>>
    %dma_start3A_109 = arith.constant 0 : i32
    %dma_start3A_110 = arith.constant 0 : i32
    %dma_start3A_111 = tpu.memref_slice %arg3[%dma_start3A_109, %dma_start3A_110] : memref<100000x1024xf32, #tpu.memory_space<hbm>> -> memref<100000x1024xf32, #tpu.memory_space<hbm>>
    tpu.enqueue_indirect_dma source(%dma_start3A_111 : memref<100000x1024xf32, #tpu.memory_space<hbm>>) target(%dma_start3A_106 : memref<8x1024xf32, #tpu.memory_space<vmem>>) offsets(%dma_start3A_108 : memref<8xi32, #tpu.memory_space<vmem>>) semaphore(%arg14 : memref<!tpu.dma_semaphore, #tpu.memory_space<semaphore_mem>>)
    %dma_wait3A = arith.constant 128 : i32
    %dma_wait3A_112 = tpu.memref_slice %arg5[%dma_wait3A] : memref<512xi32, #tpu.memory_space<vmem>> -> memref<384xi32, #tpu.memory_space<vmem>>
    %dma_wait3A_113 = tpu.memref_slice %arg2[%select_n3A, %add3A_34] : memref<4x4096xi32, #tpu.memory_space<hbm>> -> memref<1x384xi32, #tpu.memory_space<hbm>>
    %dma_wait3A_114 = tpu.memref_squeeze %dma_wait3A_113 : memref<1x384xi32, #tpu.memory_space<hbm>> -> memref<384xi32, #tpu.memory_space<hbm>>
    %dma_wait3A_115 = arith.constant 128 : i32
    %dma_wait3A_116 = tpu.memref_slice %arg5[%dma_wait3A_115] : memref<512xi32, #tpu.memory_space<vmem>> -> memref<384xi32, #tpu.memory_space<vmem>>
    %dma_wait3A_117 = tpu.memref_slice %arg2[%select_n3A, %add3A_34] : memref<4x4096xi32, #tpu.memory_space<hbm>> -> memref<1x384xi32, #tpu.memory_space<hbm>>
    %dma_wait3A_118 = tpu.memref_squeeze %dma_wait3A_117 : memref<1x384xi32, #tpu.memory_space<hbm>> -> memref<384xi32, #tpu.memory_space<hbm>>
    tpu.wait_dma2 semaphore(%arg7 : memref<!tpu.dma_semaphore, #tpu.memory_space<semaphore_mem>>) src(%dma_wait3A_118 : memref<384xi32, #tpu.memory_space<hbm>>) dst(%dma_wait3A_116 : memref<384xi32, #tpu.memory_space<vmem>>)
    %scan3A = arith.constant 0 : i32
    %scan3A_119 = arith.constant 8 : i32
    %scan3A_120 = arith.addi %scan3A, %scan3A_119 : i32
    %scan3A_121 = arith.constant 1 : i32
    scf.for %scan3A_140 = %scan3A to %scan3A_120 step %scan3A_121  : i32 {
      %mul3A_141 = arith.constant 1 : i32
      %mul3A_142 = arith.muli %scan3A_140, %mul3A_141 : i32
      %add3A_143 = arith.constant 0 : i32
      %add3A_144 = arith.addi %add3A_143, %mul3A_142 : i32
      %mul3A_145 = arith.constant 8 : i32
      %mul3A_146 = arith.muli %add3A_144, %mul3A_145 : i32
      %add3A_147 = arith.constant 0 : i32
      %add3A_148 = arith.addi %mul3A_146, %add3A_147 : i32
      %mul3A_149 = arith.constant 8 : i32
      %mul3A_150 = arith.muli %add3A_148, %mul3A_149 : i32
      %dma_wait3A_151 = arith.constant 0 : i32
      %dma_wait3A_152 = arith.constant 0 : i32
      %dma_wait3A_153 = arith.constant 0 : i32
      %dma_wait3A_154 = tpu.memref_slice %arg6[%dma_wait3A_151, %dma_wait3A_152, %dma_wait3A_153] : memref<8x8x1024xf32, #tpu.memory_space<vmem>> -> memref<1x8x1024xf32, #tpu.memory_space<vmem>>
      %dma_wait3A_155 = tpu.memref_squeeze %dma_wait3A_154 : memref<1x8x1024xf32, #tpu.memory_space<vmem>> -> memref<8x1024xf32, #tpu.memory_space<vmem>>
      %dma_wait3A_156 = tpu.memref_slice %arg5[%mul3A_150] : memref<512xi32, #tpu.memory_space<vmem>> -> memref<8xi32, #tpu.memory_space<vmem>>
      %dma_wait3A_157 = arith.constant 0 : i32
      %dma_wait3A_158 = arith.constant 0 : i32
      %dma_wait3A_159 = tpu.memref_slice %arg3[%dma_wait3A_157, %dma_wait3A_158] : memref<100000x1024xf32, #tpu.memory_space<hbm>> -> memref<100000x1024xf32, #tpu.memory_space<hbm>>
      tpu.wait_indirect_dma semaphore(%arg8 : memref<!tpu.dma_semaphore, #tpu.memory_space<semaphore_mem>>) src(%dma_wait3A_159 : memref<100000x1024xf32, #tpu.memory_space<hbm>>) dst(%dma_wait3A_155 : memref<8x1024xf32, #tpu.memory_space<vmem>>)
      %gt3A = arith.constant 0 : i32
      %gt3A_160 = arith.cmpi sgt, %add3A_144, %gt3A : i32
      %convert_element_type3A = arith.extui %gt3A_160 : i1 to i32
      %cond3A = arith.constant 0 : i32
      %cond3A_161 = arith.cmpi ne, %convert_element_type3A, %cond3A : i32
      scf.if %cond3A_161 {
        %sub3A_587 = arith.constant 1 : i32
        %sub3A_588 = arith.subi %add3A_148, %sub3A_587 : i32
        %mul3A_589 = arith.constant 8 : i32
        %mul3A_590 = arith.muli %sub3A_588, %mul3A_589 : i32
        %add3A_591 = arith.addi %mul3A_32, %mul3A_590 : i32
        %dma_wait3A_592 = arith.constant 7 : i32
        %dma_wait3A_593 = arith.constant 0 : i32
        %dma_wait3A_594 = arith.constant 0 : i32
        %dma_wait3A_595 = tpu.memref_slice %arg6[%dma_wait3A_592, %dma_wait3A_593, %dma_wait3A_594] : memref<8x8x1024xf32, #tpu.memory_space<vmem>> -> memref<1x8x1024xf32, #tpu.memory_space<vmem>>
        %dma_wait3A_596 = tpu.memref_squeeze %dma_wait3A_595 : memref<1x8x1024xf32, #tpu.memory_space<vmem>> -> memref<8x1024xf32, #tpu.memory_space<vmem>>
        %dma_wait3A_597 = arith.constant 0 : i32
        %dma_wait3A_598 = tpu.memref_slice %arg4[%select_n3A, %add3A_591, %dma_wait3A_597] : memref<4x4096x1024xf32, #tpu.memory_space<hbm>> -> memref<1x8x1024xf32, #tpu.memory_space<hbm>>
        %dma_wait3A_599 = tpu.memref_squeeze %dma_wait3A_598 : memref<1x8x1024xf32, #tpu.memory_space<hbm>> -> memref<8x1024xf32, #tpu.memory_space<hbm>>
        %dma_wait3A_600 = arith.constant 0 : i32
        %dma_wait3A_601 = tpu.memref_slice %arg4[%select_n3A, %add3A_591, %dma_wait3A_600] : memref<4x4096x1024xf32, #tpu.memory_space<hbm>> -> memref<1x8x1024xf32, #tpu.memory_space<hbm>>
        %dma_wait3A_602 = tpu.memref_squeeze %dma_wait3A_601 : memref<1x8x1024xf32, #tpu.memory_space<hbm>> -> memref<8x1024xf32, #tpu.memory_space<hbm>>
        %dma_wait3A_603 = arith.constant 0 : i32
        %dma_wait3A_604 = arith.constant 0 : i32
        %dma_wait3A_605 = tpu.memref_slice %arg6[%dma_wait3A_592, %dma_wait3A_603, %dma_wait3A_604] : memref<8x8x1024xf32, #tpu.memory_space<vmem>> -> memref<1x8x1024xf32, #tpu.memory_space<vmem>>
        %dma_wait3A_606 = tpu.memref_squeeze %dma_wait3A_605 : memref<1x8x1024xf32, #tpu.memory_space<vmem>> -> memref<8x1024xf32, #tpu.memory_space<vmem>>
        tpu.wait_dma2 semaphore(%arg23 : memref<!tpu.dma_semaphore, #tpu.memory_space<semaphore_mem>>) src(%dma_wait3A_606 : memref<8x1024xf32, #tpu.memory_space<vmem>>) dst(%dma_wait3A_602 : memref<8x1024xf32, #tpu.memory_space<hbm>>)
      } else {
      }
      %add3A_162 = arith.constant 8 : i32
      %add3A_163 = arith.addi %add3A_148, %add3A_162 : i32
      %sub3A_164 = arith.constant 1 : i32
      %sub3A_165 = arith.subi %add3A_163, %sub3A_164 : i32
      %mul3A_166 = arith.constant 8 : i32
      %mul3A_167 = arith.muli %sub3A_165, %mul3A_166 : i32
      %dma_start3A_168 = arith.constant 7 : i32
      %dma_start3A_169 = arith.constant 0 : i32
      %dma_start3A_170 = arith.constant 0 : i32
      %dma_start3A_171 = tpu.memref_slice %arg6[%dma_start3A_168, %dma_start3A_169, %dma_start3A_170] : memref<8x8x1024xf32, #tpu.memory_space<vmem>> -> memref<1x8x1024xf32, #tpu.memory_space<vmem>>
      %dma_start3A_172 = tpu.memref_squeeze %dma_start3A_171 : memref<1x8x1024xf32, #tpu.memory_space<vmem>> -> memref<8x1024xf32, #tpu.memory_space<vmem>>
      %dma_start3A_173 = tpu.memref_slice %arg5[%mul3A_167] : memref<512xi32, #tpu.memory_space<vmem>> -> memref<8xi32, #tpu.memory_space<vmem>>
      %dma_start3A_174 = arith.constant 0 : i32
      %dma_start3A_175 = arith.constant 0 : i32
      %dma_start3A_176 = tpu.memref_slice %arg3[%dma_start3A_174, %dma_start3A_175] : memref<100000x1024xf32, #tpu.memory_space<hbm>> -> memref<100000x1024xf32, #tpu.memory_space<hbm>>
      tpu.enqueue_indirect_dma source(%dma_start3A_176 : memref<100000x1024xf32, #tpu.memory_space<hbm>>) target(%dma_start3A_172 : memref<8x1024xf32, #tpu.memory_space<vmem>>) offsets(%dma_start3A_173 : memref<8xi32, #tpu.memory_space<vmem>>) semaphore(%arg15 : memref<!tpu.dma_semaphore, #tpu.memory_space<semaphore_mem>>)
      %mul3A_177 = arith.constant 8 : i32
      %mul3A_178 = arith.muli %add3A_148, %mul3A_177 : i32
      %add3A_179 = arith.addi %mul3A_32, %mul3A_178 : i32
      %dma_start3A_180 = arith.constant 0 : i32
      %dma_start3A_181 = arith.constant 0 : i32
      %dma_start3A_182 = arith.constant 0 : i32
      %dma_start3A_183 = tpu.memref_slice %arg6[%dma_start3A_180, %dma_start3A_181, %dma_start3A_182] : memref<8x8x1024xf32, #tpu.memory_space<vmem>> -> memref<1x8x1024xf32, #tpu.memory_space<vmem>>
      %dma_start3A_184 = tpu.memref_squeeze %dma_start3A_183 : memref<1x8x1024xf32, #tpu.memory_space<vmem>> -> memref<8x1024xf32, #tpu.memory_space<vmem>>
      %dma_start3A_185 = arith.constant 0 : i32
      %dma_start3A_186 = tpu.memref_slice %arg4[%select_n3A, %add3A_179, %dma_start3A_185] : memref<4x4096x1024xf32, #tpu.memory_space<hbm>> -> memref<1x8x1024xf32, #tpu.memory_space<hbm>>
      %dma_start3A_187 = tpu.memref_squeeze %dma_start3A_186 : memref<1x8x1024xf32, #tpu.memory_space<hbm>> -> memref<8x1024xf32, #tpu.memory_space<hbm>>
      %dma_start3A_188 = arith.constant 0 : i32
      %dma_start3A_189 = tpu.memref_slice %arg4[%select_n3A, %add3A_179, %dma_start3A_188] : memref<4x4096x1024xf32, #tpu.memory_space<hbm>> -> memref<1x8x1024xf32, #tpu.memory_space<hbm>>
      %dma_start3A_190 = tpu.memref_squeeze %dma_start3A_189 : memref<1x8x1024xf32, #tpu.memory_space<hbm>> -> memref<8x1024xf32, #tpu.memory_space<hbm>>
      %dma_start3A_191 = arith.constant 0 : i32
      %dma_start3A_192 = arith.constant 0 : i32
      %dma_start3A_193 = tpu.memref_slice %arg6[%dma_start3A_180, %dma_start3A_191, %dma_start3A_192] : memref<8x8x1024xf32, #tpu.memory_space<vmem>> -> memref<1x8x1024xf32, #tpu.memory_space<vmem>>
      %dma_start3A_194 = tpu.memref_squeeze %dma_start3A_193 : memref<1x8x1024xf32, #tpu.memory_space<vmem>> -> memref<8x1024xf32, #tpu.memory_space<vmem>>
      tpu.enqueue_dma source(%dma_start3A_194 : memref<8x1024xf32, #tpu.memory_space<vmem>>) target(%dma_start3A_190 : memref<8x1024xf32, #tpu.memory_space<hbm>>) target_semaphore(%arg16 : memref<!tpu.dma_semaphore, #tpu.memory_space<semaphore_mem>>)
      %add3A_195 = arith.constant 1 : i32
      %add3A_196 = arith.addi %mul3A_146, %add3A_195 : i32
      %mul3A_197 = arith.constant 8 : i32
      %mul3A_198 = arith.muli %add3A_196, %mul3A_197 : i32
      %dma_wait3A_199 = arith.constant 1 : i32
      %dma_wait3A_200 = arith.constant 0 : i32
      %dma_wait3A_201 = arith.constant 0 : i32
      %dma_wait3A_202 = tpu.memref_slice %arg6[%dma_wait3A_199, %dma_wait3A_200, %dma_wait3A_201] : memref<8x8x1024xf32, #tpu.memory_space<vmem>> -> memref<1x8x1024xf32, #tpu.memory_space<vmem>>
      %dma_wait3A_203 = tpu.memref_squeeze %dma_wait3A_202 : memref<1x8x1024xf32, #tpu.memory_space<vmem>> -> memref<8x1024xf32, #tpu.memory_space<vmem>>
      %dma_wait3A_204 = tpu.memref_slice %arg5[%mul3A_198] : memref<512xi32, #tpu.memory_space<vmem>> -> memref<8xi32, #tpu.memory_space<vmem>>
      %dma_wait3A_205 = arith.constant 0 : i32
      %dma_wait3A_206 = arith.constant 0 : i32
      %dma_wait3A_207 = tpu.memref_slice %arg3[%dma_wait3A_205, %dma_wait3A_206] : memref<100000x1024xf32, #tpu.memory_space<hbm>> -> memref<100000x1024xf32, #tpu.memory_space<hbm>>
      tpu.wait_indirect_dma semaphore(%arg9 : memref<!tpu.dma_semaphore, #tpu.memory_space<semaphore_mem>>) src(%dma_wait3A_207 : memref<100000x1024xf32, #tpu.memory_space<hbm>>) dst(%dma_wait3A_203 : memref<8x1024xf32, #tpu.memory_space<vmem>>)
      %sub3A_208 = arith.constant 1 : i32
      %sub3A_209 = arith.subi %add3A_196, %sub3A_208 : i32
      %mul3A_210 = arith.constant 8 : i32
      %mul3A_211 = arith.muli %sub3A_209, %mul3A_210 : i32
      %add3A_212 = arith.addi %mul3A_32, %mul3A_211 : i32
      %dma_wait3A_213 = arith.constant 0 : i32
      %dma_wait3A_214 = arith.constant 0 : i32
      %dma_wait3A_215 = arith.constant 0 : i32
      %dma_wait3A_216 = tpu.memref_slice %arg6[%dma_wait3A_213, %dma_wait3A_214, %dma_wait3A_215] : memref<8x8x1024xf32, #tpu.memory_space<vmem>> -> memref<1x8x1024xf32, #tpu.memory_space<vmem>>
      %dma_wait3A_217 = tpu.memref_squeeze %dma_wait3A_216 : memref<1x8x1024xf32, #tpu.memory_space<vmem>> -> memref<8x1024xf32, #tpu.memory_space<vmem>>
      %dma_wait3A_218 = arith.constant 0 : i32
      %dma_wait3A_219 = tpu.memref_slice %arg4[%select_n3A, %add3A_212, %dma_wait3A_218] : memref<4x4096x1024xf32, #tpu.memory_space<hbm>> -> memref<1x8x1024xf32, #tpu.memory_space<hbm>>
      %dma_wait3A_220 = tpu.memref_squeeze %dma_wait3A_219 : memref<1x8x1024xf32, #tpu.memory_space<hbm>> -> memref<8x1024xf32, #tpu.memory_space<hbm>>
      %dma_wait3A_221 = arith.constant 0 : i32
      %dma_wait3A_222 = tpu.memref_slice %arg4[%select_n3A, %add3A_212, %dma_wait3A_221] : memref<4x4096x1024xf32, #tpu.memory_space<hbm>> -> memref<1x8x1024xf32, #tpu.memory_space<hbm>>
      %dma_wait3A_223 = tpu.memref_squeeze %dma_wait3A_222 : memref<1x8x1024xf32, #tpu.memory_space<hbm>> -> memref<8x1024xf32, #tpu.memory_space<hbm>>
      %dma_wait3A_224 = arith.constant 0 : i32
      %dma_wait3A_225 = arith.constant 0 : i32
      %dma_wait3A_226 = tpu.memref_slice %arg6[%dma_wait3A_213, %dma_wait3A_224, %dma_wait3A_225] : memref<8x8x1024xf32, #tpu.memory_space<vmem>> -> memref<1x8x1024xf32, #tpu.memory_space<vmem>>
      %dma_wait3A_227 = tpu.memref_squeeze %dma_wait3A_226 : memref<1x8x1024xf32, #tpu.memory_space<vmem>> -> memref<8x1024xf32, #tpu.memory_space<vmem>>
      tpu.wait_dma2 semaphore(%arg16 : memref<!tpu.dma_semaphore, #tpu.memory_space<semaphore_mem>>) src(%dma_wait3A_227 : memref<8x1024xf32, #tpu.memory_space<vmem>>) dst(%dma_wait3A_223 : memref<8x1024xf32, #tpu.memory_space<hbm>>)
      %lt3A_228 = arith.constant 7 : i32
      %lt3A_229 = arith.cmpi slt, %add3A_144, %lt3A_228 : i32
      %convert_element_type3A_230 = arith.extui %lt3A_229 : i1 to i32
      %cond3A_231 = arith.constant 0 : i32
      %cond3A_232 = arith.cmpi ne, %convert_element_type3A_230, %cond3A_231 : i32
      scf.if %cond3A_232 {
        %add3A_587 = arith.constant 8 : i32
        %add3A_588 = arith.addi %add3A_196, %add3A_587 : i32
        %sub3A_589 = arith.constant 1 : i32
        %sub3A_590 = arith.subi %add3A_588, %sub3A_589 : i32
        %mul3A_591 = arith.constant 8 : i32
        %mul3A_592 = arith.muli %sub3A_590, %mul3A_591 : i32
        %dma_start3A_593 = arith.constant 0 : i32
        %dma_start3A_594 = arith.constant 0 : i32
        %dma_start3A_595 = arith.constant 0 : i32
        %dma_start3A_596 = tpu.memref_slice %arg6[%dma_start3A_593, %dma_start3A_594, %dma_start3A_595] : memref<8x8x1024xf32, #tpu.memory_space<vmem>> -> memref<1x8x1024xf32, #tpu.memory_space<vmem>>
        %dma_start3A_597 = tpu.memref_squeeze %dma_start3A_596 : memref<1x8x1024xf32, #tpu.memory_space<vmem>> -> memref<8x1024xf32, #tpu.memory_space<vmem>>
        %dma_start3A_598 = tpu.memref_slice %arg5[%mul3A_592] : memref<512xi32, #tpu.memory_space<vmem>> -> memref<8xi32, #tpu.memory_space<vmem>>
        %dma_start3A_599 = arith.constant 0 : i32
        %dma_start3A_600 = arith.constant 0 : i32
        %dma_start3A_601 = tpu.memref_slice %arg3[%dma_start3A_599, %dma_start3A_600] : memref<100000x1024xf32, #tpu.memory_space<hbm>> -> memref<100000x1024xf32, #tpu.memory_space<hbm>>
        tpu.enqueue_indirect_dma source(%dma_start3A_601 : memref<100000x1024xf32, #tpu.memory_space<hbm>>) target(%dma_start3A_597 : memref<8x1024xf32, #tpu.memory_space<vmem>>) offsets(%dma_start3A_598 : memref<8xi32, #tpu.memory_space<vmem>>) semaphore(%arg8 : memref<!tpu.dma_semaphore, #tpu.memory_space<semaphore_mem>>)
      } else {
      }
      %mul3A_233 = arith.constant 8 : i32
      %mul3A_234 = arith.muli %add3A_196, %mul3A_233 : i32
      %add3A_235 = arith.addi %mul3A_32, %mul3A_234 : i32
      %dma_start3A_236 = arith.constant 1 : i32
      %dma_start3A_237 = arith.constant 0 : i32
      %dma_start3A_238 = arith.constant 0 : i32
      %dma_start3A_239 = tpu.memref_slice %arg6[%dma_start3A_236, %dma_start3A_237, %dma_start3A_238] : memref<8x8x1024xf32, #tpu.memory_space<vmem>> -> memref<1x8x1024xf32, #tpu.memory_space<vmem>>
      %dma_start3A_240 = tpu.memref_squeeze %dma_start3A_239 : memref<1x8x1024xf32, #tpu.memory_space<vmem>> -> memref<8x1024xf32, #tpu.memory_space<vmem>>
      %dma_start3A_241 = arith.constant 0 : i32
      %dma_start3A_242 = tpu.memref_slice %arg4[%select_n3A, %add3A_235, %dma_start3A_241] : memref<4x4096x1024xf32, #tpu.memory_space<hbm>> -> memref<1x8x1024xf32, #tpu.memory_space<hbm>>
      %dma_start3A_243 = tpu.memref_squeeze %dma_start3A_242 : memref<1x8x1024xf32, #tpu.memory_space<hbm>> -> memref<8x1024xf32, #tpu.memory_space<hbm>>
      %dma_start3A_244 = arith.constant 0 : i32
      %dma_start3A_245 = tpu.memref_slice %arg4[%select_n3A, %add3A_235, %dma_start3A_244] : memref<4x4096x1024xf32, #tpu.memory_space<hbm>> -> memref<1x8x1024xf32, #tpu.memory_space<hbm>>
      %dma_start3A_246 = tpu.memref_squeeze %dma_start3A_245 : memref<1x8x1024xf32, #tpu.memory_space<hbm>> -> memref<8x1024xf32, #tpu.memory_space<hbm>>
      %dma_start3A_247 = arith.constant 0 : i32
      %dma_start3A_248 = arith.constant 0 : i32
      %dma_start3A_249 = tpu.memref_slice %arg6[%dma_start3A_236, %dma_start3A_247, %dma_start3A_248] : memref<8x8x1024xf32, #tpu.memory_space<vmem>> -> memref<1x8x1024xf32, #tpu.memory_space<vmem>>
      %dma_start3A_250 = tpu.memref_squeeze %dma_start3A_249 : memref<1x8x1024xf32, #tpu.memory_space<vmem>> -> memref<8x1024xf32, #tpu.memory_space<vmem>>
      tpu.enqueue_dma source(%dma_start3A_250 : memref<8x1024xf32, #tpu.memory_space<vmem>>) target(%dma_start3A_246 : memref<8x1024xf32, #tpu.memory_space<hbm>>) target_semaphore(%arg17 : memref<!tpu.dma_semaphore, #tpu.memory_space<semaphore_mem>>)
      %add3A_251 = arith.constant 2 : i32
      %add3A_252 = arith.addi %mul3A_146, %add3A_251 : i32
      %mul3A_253 = arith.constant 8 : i32
      %mul3A_254 = arith.muli %add3A_252, %mul3A_253 : i32
      %dma_wait3A_255 = arith.constant 2 : i32
      %dma_wait3A_256 = arith.constant 0 : i32
      %dma_wait3A_257 = arith.constant 0 : i32
      %dma_wait3A_258 = tpu.memref_slice %arg6[%dma_wait3A_255, %dma_wait3A_256, %dma_wait3A_257] : memref<8x8x1024xf32, #tpu.memory_space<vmem>> -> memref<1x8x1024xf32, #tpu.memory_space<vmem>>
      %dma_wait3A_259 = tpu.memref_squeeze %dma_wait3A_258 : memref<1x8x1024xf32, #tpu.memory_space<vmem>> -> memref<8x1024xf32, #tpu.memory_space<vmem>>
      %dma_wait3A_260 = tpu.memref_slice %arg5[%mul3A_254] : memref<512xi32, #tpu.memory_space<vmem>> -> memref<8xi32, #tpu.memory_space<vmem>>
      %dma_wait3A_261 = arith.constant 0 : i32
      %dma_wait3A_262 = arith.constant 0 : i32
      %dma_wait3A_263 = tpu.memref_slice %arg3[%dma_wait3A_261, %dma_wait3A_262] : memref<100000x1024xf32, #tpu.memory_space<hbm>> -> memref<100000x1024xf32, #tpu.memory_space<hbm>>
      tpu.wait_indirect_dma semaphore(%arg10 : memref<!tpu.dma_semaphore, #tpu.memory_space<semaphore_mem>>) src(%dma_wait3A_263 : memref<100000x1024xf32, #tpu.memory_space<hbm>>) dst(%dma_wait3A_259 : memref<8x1024xf32, #tpu.memory_space<vmem>>)
      %sub3A_264 = arith.constant 1 : i32
      %sub3A_265 = arith.subi %add3A_252, %sub3A_264 : i32
      %mul3A_266 = arith.constant 8 : i32
      %mul3A_267 = arith.muli %sub3A_265, %mul3A_266 : i32
      %add3A_268 = arith.addi %mul3A_32, %mul3A_267 : i32
      %dma_wait3A_269 = arith.constant 1 : i32
      %dma_wait3A_270 = arith.constant 0 : i32
      %dma_wait3A_271 = arith.constant 0 : i32
      %dma_wait3A_272 = tpu.memref_slice %arg6[%dma_wait3A_269, %dma_wait3A_270, %dma_wait3A_271] : memref<8x8x1024xf32, #tpu.memory_space<vmem>> -> memref<1x8x1024xf32, #tpu.memory_space<vmem>>
      %dma_wait3A_273 = tpu.memref_squeeze %dma_wait3A_272 : memref<1x8x1024xf32, #tpu.memory_space<vmem>> -> memref<8x1024xf32, #tpu.memory_space<vmem>>
      %dma_wait3A_274 = arith.constant 0 : i32
      %dma_wait3A_275 = tpu.memref_slice %arg4[%select_n3A, %add3A_268, %dma_wait3A_274] : memref<4x4096x1024xf32, #tpu.memory_space<hbm>> -> memref<1x8x1024xf32, #tpu.memory_space<hbm>>
      %dma_wait3A_276 = tpu.memref_squeeze %dma_wait3A_275 : memref<1x8x1024xf32, #tpu.memory_space<hbm>> -> memref<8x1024xf32, #tpu.memory_space<hbm>>
      %dma_wait3A_277 = arith.constant 0 : i32
      %dma_wait3A_278 = tpu.memref_slice %arg4[%select_n3A, %add3A_268, %dma_wait3A_277] : memref<4x4096x1024xf32, #tpu.memory_space<hbm>> -> memref<1x8x1024xf32, #tpu.memory_space<hbm>>
      %dma_wait3A_279 = tpu.memref_squeeze %dma_wait3A_278 : memref<1x8x1024xf32, #tpu.memory_space<hbm>> -> memref<8x1024xf32, #tpu.memory_space<hbm>>
      %dma_wait3A_280 = arith.constant 0 : i32
      %dma_wait3A_281 = arith.constant 0 : i32
      %dma_wait3A_282 = tpu.memref_slice %arg6[%dma_wait3A_269, %dma_wait3A_280, %dma_wait3A_281] : memref<8x8x1024xf32, #tpu.memory_space<vmem>> -> memref<1x8x1024xf32, #tpu.memory_space<vmem>>
      %dma_wait3A_283 = tpu.memref_squeeze %dma_wait3A_282 : memref<1x8x1024xf32, #tpu.memory_space<vmem>> -> memref<8x1024xf32, #tpu.memory_space<vmem>>
      tpu.wait_dma2 semaphore(%arg17 : memref<!tpu.dma_semaphore, #tpu.memory_space<semaphore_mem>>) src(%dma_wait3A_283 : memref<8x1024xf32, #tpu.memory_space<vmem>>) dst(%dma_wait3A_279 : memref<8x1024xf32, #tpu.memory_space<hbm>>)
      %lt3A_284 = arith.constant 7 : i32
      %lt3A_285 = arith.cmpi slt, %add3A_144, %lt3A_284 : i32
      %convert_element_type3A_286 = arith.extui %lt3A_285 : i1 to i32
      %cond3A_287 = arith.constant 0 : i32
      %cond3A_288 = arith.cmpi ne, %convert_element_type3A_286, %cond3A_287 : i32
      scf.if %cond3A_288 {
        %add3A_587 = arith.constant 8 : i32
        %add3A_588 = arith.addi %add3A_252, %add3A_587 : i32
        %sub3A_589 = arith.constant 1 : i32
        %sub3A_590 = arith.subi %add3A_588, %sub3A_589 : i32
        %mul3A_591 = arith.constant 8 : i32
        %mul3A_592 = arith.muli %sub3A_590, %mul3A_591 : i32
        %dma_start3A_593 = arith.constant 1 : i32
        %dma_start3A_594 = arith.constant 0 : i32
        %dma_start3A_595 = arith.constant 0 : i32
        %dma_start3A_596 = tpu.memref_slice %arg6[%dma_start3A_593, %dma_start3A_594, %dma_start3A_595] : memref<8x8x1024xf32, #tpu.memory_space<vmem>> -> memref<1x8x1024xf32, #tpu.memory_space<vmem>>
        %dma_start3A_597 = tpu.memref_squeeze %dma_start3A_596 : memref<1x8x1024xf32, #tpu.memory_space<vmem>> -> memref<8x1024xf32, #tpu.memory_space<vmem>>
        %dma_start3A_598 = tpu.memref_slice %arg5[%mul3A_592] : memref<512xi32, #tpu.memory_space<vmem>> -> memref<8xi32, #tpu.memory_space<vmem>>
        %dma_start3A_599 = arith.constant 0 : i32
        %dma_start3A_600 = arith.constant 0 : i32
        %dma_start3A_601 = tpu.memref_slice %arg3[%dma_start3A_599, %dma_start3A_600] : memref<100000x1024xf32, #tpu.memory_space<hbm>> -> memref<100000x1024xf32, #tpu.memory_space<hbm>>
        tpu.enqueue_indirect_dma source(%dma_start3A_601 : memref<100000x1024xf32, #tpu.memory_space<hbm>>) target(%dma_start3A_597 : memref<8x1024xf32, #tpu.memory_space<vmem>>) offsets(%dma_start3A_598 : memref<8xi32, #tpu.memory_space<vmem>>) semaphore(%arg9 : memref<!tpu.dma_semaphore, #tpu.memory_space<semaphore_mem>>)
      } else {
      }
      %mul3A_289 = arith.constant 8 : i32
      %mul3A_290 = arith.muli %add3A_252, %mul3A_289 : i32
      %add3A_291 = arith.addi %mul3A_32, %mul3A_290 : i32
      %dma_start3A_292 = arith.constant 2 : i32
      %dma_start3A_293 = arith.constant 0 : i32
      %dma_start3A_294 = arith.constant 0 : i32
      %dma_start3A_295 = tpu.memref_slice %arg6[%dma_start3A_292, %dma_start3A_293, %dma_start3A_294] : memref<8x8x1024xf32, #tpu.memory_space<vmem>> -> memref<1x8x1024xf32, #tpu.memory_space<vmem>>
      %dma_start3A_296 = tpu.memref_squeeze %dma_start3A_295 : memref<1x8x1024xf32, #tpu.memory_space<vmem>> -> memref<8x1024xf32, #tpu.memory_space<vmem>>
      %dma_start3A_297 = arith.constant 0 : i32
      %dma_start3A_298 = tpu.memref_slice %arg4[%select_n3A, %add3A_291, %dma_start3A_297] : memref<4x4096x1024xf32, #tpu.memory_space<hbm>> -> memref<1x8x1024xf32, #tpu.memory_space<hbm>>
      %dma_start3A_299 = tpu.memref_squeeze %dma_start3A_298 : memref<1x8x1024xf32, #tpu.memory_space<hbm>> -> memref<8x1024xf32, #tpu.memory_space<hbm>>
      %dma_start3A_300 = arith.constant 0 : i32
      %dma_start3A_301 = tpu.memref_slice %arg4[%select_n3A, %add3A_291, %dma_start3A_300] : memref<4x4096x1024xf32, #tpu.memory_space<hbm>> -> memref<1x8x1024xf32, #tpu.memory_space<hbm>>
      %dma_start3A_302 = tpu.memref_squeeze %dma_start3A_301 : memref<1x8x1024xf32, #tpu.memory_space<hbm>> -> memref<8x1024xf32, #tpu.memory_space<hbm>>
      %dma_start3A_303 = arith.constant 0 : i32
      %dma_start3A_304 = arith.constant 0 : i32
      %dma_start3A_305 = tpu.memref_slice %arg6[%dma_start3A_292, %dma_start3A_303, %dma_start3A_304] : memref<8x8x1024xf32, #tpu.memory_space<vmem>> -> memref<1x8x1024xf32, #tpu.memory_space<vmem>>
      %dma_start3A_306 = tpu.memref_squeeze %dma_start3A_305 : memref<1x8x1024xf32, #tpu.memory_space<vmem>> -> memref<8x1024xf32, #tpu.memory_space<vmem>>
      tpu.enqueue_dma source(%dma_start3A_306 : memref<8x1024xf32, #tpu.memory_space<vmem>>) target(%dma_start3A_302 : memref<8x1024xf32, #tpu.memory_space<hbm>>) target_semaphore(%arg18 : memref<!tpu.dma_semaphore, #tpu.memory_space<semaphore_mem>>)
      %add3A_307 = arith.constant 3 : i32
      %add3A_308 = arith.addi %mul3A_146, %add3A_307 : i32
      %mul3A_309 = arith.constant 8 : i32
      %mul3A_310 = arith.muli %add3A_308, %mul3A_309 : i32
      %dma_wait3A_311 = arith.constant 3 : i32
      %dma_wait3A_312 = arith.constant 0 : i32
      %dma_wait3A_313 = arith.constant 0 : i32
      %dma_wait3A_314 = tpu.memref_slice %arg6[%dma_wait3A_311, %dma_wait3A_312, %dma_wait3A_313] : memref<8x8x1024xf32, #tpu.memory_space<vmem>> -> memref<1x8x1024xf32, #tpu.memory_space<vmem>>
      %dma_wait3A_315 = tpu.memref_squeeze %dma_wait3A_314 : memref<1x8x1024xf32, #tpu.memory_space<vmem>> -> memref<8x1024xf32, #tpu.memory_space<vmem>>
      %dma_wait3A_316 = tpu.memref_slice %arg5[%mul3A_310] : memref<512xi32, #tpu.memory_space<vmem>> -> memref<8xi32, #tpu.memory_space<vmem>>
      %dma_wait3A_317 = arith.constant 0 : i32
      %dma_wait3A_318 = arith.constant 0 : i32
      %dma_wait3A_319 = tpu.memref_slice %arg3[%dma_wait3A_317, %dma_wait3A_318] : memref<100000x1024xf32, #tpu.memory_space<hbm>> -> memref<100000x1024xf32, #tpu.memory_space<hbm>>
      tpu.wait_indirect_dma semaphore(%arg11 : memref<!tpu.dma_semaphore, #tpu.memory_space<semaphore_mem>>) src(%dma_wait3A_319 : memref<100000x1024xf32, #tpu.memory_space<hbm>>) dst(%dma_wait3A_315 : memref<8x1024xf32, #tpu.memory_space<vmem>>)
      %sub3A_320 = arith.constant 1 : i32
      %sub3A_321 = arith.subi %add3A_308, %sub3A_320 : i32
      %mul3A_322 = arith.constant 8 : i32
      %mul3A_323 = arith.muli %sub3A_321, %mul3A_322 : i32
      %add3A_324 = arith.addi %mul3A_32, %mul3A_323 : i32
      %dma_wait3A_325 = arith.constant 2 : i32
      %dma_wait3A_326 = arith.constant 0 : i32
      %dma_wait3A_327 = arith.constant 0 : i32
      %dma_wait3A_328 = tpu.memref_slice %arg6[%dma_wait3A_325, %dma_wait3A_326, %dma_wait3A_327] : memref<8x8x1024xf32, #tpu.memory_space<vmem>> -> memref<1x8x1024xf32, #tpu.memory_space<vmem>>
      %dma_wait3A_329 = tpu.memref_squeeze %dma_wait3A_328 : memref<1x8x1024xf32, #tpu.memory_space<vmem>> -> memref<8x1024xf32, #tpu.memory_space<vmem>>
      %dma_wait3A_330 = arith.constant 0 : i32
      %dma_wait3A_331 = tpu.memref_slice %arg4[%select_n3A, %add3A_324, %dma_wait3A_330] : memref<4x4096x1024xf32, #tpu.memory_space<hbm>> -> memref<1x8x1024xf32, #tpu.memory_space<hbm>>
      %dma_wait3A_332 = tpu.memref_squeeze %dma_wait3A_331 : memref<1x8x1024xf32, #tpu.memory_space<hbm>> -> memref<8x1024xf32, #tpu.memory_space<hbm>>
      %dma_wait3A_333 = arith.constant 0 : i32
      %dma_wait3A_334 = tpu.memref_slice %arg4[%select_n3A, %add3A_324, %dma_wait3A_333] : memref<4x4096x1024xf32, #tpu.memory_space<hbm>> -> memref<1x8x1024xf32, #tpu.memory_space<hbm>>
      %dma_wait3A_335 = tpu.memref_squeeze %dma_wait3A_334 : memref<1x8x1024xf32, #tpu.memory_space<hbm>> -> memref<8x1024xf32, #tpu.memory_space<hbm>>
      %dma_wait3A_336 = arith.constant 0 : i32
      %dma_wait3A_337 = arith.constant 0 : i32
      %dma_wait3A_338 = tpu.memref_slice %arg6[%dma_wait3A_325, %dma_wait3A_336, %dma_wait3A_337] : memref<8x8x1024xf32, #tpu.memory_space<vmem>> -> memref<1x8x1024xf32, #tpu.memory_space<vmem>>
      %dma_wait3A_339 = tpu.memref_squeeze %dma_wait3A_338 : memref<1x8x1024xf32, #tpu.memory_space<vmem>> -> memref<8x1024xf32, #tpu.memory_space<vmem>>
      tpu.wait_dma2 semaphore(%arg18 : memref<!tpu.dma_semaphore, #tpu.memory_space<semaphore_mem>>) src(%dma_wait3A_339 : memref<8x1024xf32, #tpu.memory_space<vmem>>) dst(%dma_wait3A_335 : memref<8x1024xf32, #tpu.memory_space<hbm>>)
      %lt3A_340 = arith.constant 7 : i32
      %lt3A_341 = arith.cmpi slt, %add3A_144, %lt3A_340 : i32
      %convert_element_type3A_342 = arith.extui %lt3A_341 : i1 to i32
      %cond3A_343 = arith.constant 0 : i32
      %cond3A_344 = arith.cmpi ne, %convert_element_type3A_342, %cond3A_343 : i32
      scf.if %cond3A_344 {
        %add3A_587 = arith.constant 8 : i32
        %add3A_588 = arith.addi %add3A_308, %add3A_587 : i32
        %sub3A_589 = arith.constant 1 : i32
        %sub3A_590 = arith.subi %add3A_588, %sub3A_589 : i32
        %mul3A_591 = arith.constant 8 : i32
        %mul3A_592 = arith.muli %sub3A_590, %mul3A_591 : i32
        %dma_start3A_593 = arith.constant 2 : i32
        %dma_start3A_594 = arith.constant 0 : i32
        %dma_start3A_595 = arith.constant 0 : i32
        %dma_start3A_596 = tpu.memref_slice %arg6[%dma_start3A_593, %dma_start3A_594, %dma_start3A_595] : memref<8x8x1024xf32, #tpu.memory_space<vmem>> -> memref<1x8x1024xf32, #tpu.memory_space<vmem>>
        %dma_start3A_597 = tpu.memref_squeeze %dma_start3A_596 : memref<1x8x1024xf32, #tpu.memory_space<vmem>> -> memref<8x1024xf32, #tpu.memory_space<vmem>>
        %dma_start3A_598 = tpu.memref_slice %arg5[%mul3A_592] : memref<512xi32, #tpu.memory_space<vmem>> -> memref<8xi32, #tpu.memory_space<vmem>>
        %dma_start3A_599 = arith.constant 0 : i32
        %dma_start3A_600 = arith.constant 0 : i32
        %dma_start3A_601 = tpu.memref_slice %arg3[%dma_start3A_599, %dma_start3A_600] : memref<100000x1024xf32, #tpu.memory_space<hbm>> -> memref<100000x1024xf32, #tpu.memory_space<hbm>>
        tpu.enqueue_indirect_dma source(%dma_start3A_601 : memref<100000x1024xf32, #tpu.memory_space<hbm>>) target(%dma_start3A_597 : memref<8x1024xf32, #tpu.memory_space<vmem>>) offsets(%dma_start3A_598 : memref<8xi32, #tpu.memory_space<vmem>>) semaphore(%arg10 : memref<!tpu.dma_semaphore, #tpu.memory_space<semaphore_mem>>)
      } else {
      }
      %mul3A_345 = arith.constant 8 : i32
      %mul3A_346 = arith.muli %add3A_308, %mul3A_345 : i32
      %add3A_347 = arith.addi %mul3A_32, %mul3A_346 : i32
      %dma_start3A_348 = arith.constant 3 : i32
      %dma_start3A_349 = arith.constant 0 : i32
      %dma_start3A_350 = arith.constant 0 : i32
      %dma_start3A_351 = tpu.memref_slice %arg6[%dma_start3A_348, %dma_start3A_349, %dma_start3A_350] : memref<8x8x1024xf32, #tpu.memory_space<vmem>> -> memref<1x8x1024xf32, #tpu.memory_space<vmem>>
      %dma_start3A_352 = tpu.memref_squeeze %dma_start3A_351 : memref<1x8x1024xf32, #tpu.memory_space<vmem>> -> memref<8x1024xf32, #tpu.memory_space<vmem>>
      %dma_start3A_353 = arith.constant 0 : i32
      %dma_start3A_354 = tpu.memref_slice %arg4[%select_n3A, %add3A_347, %dma_start3A_353] : memref<4x4096x1024xf32, #tpu.memory_space<hbm>> -> memref<1x8x1024xf32, #tpu.memory_space<hbm>>
      %dma_start3A_355 = tpu.memref_squeeze %dma_start3A_354 : memref<1x8x1024xf32, #tpu.memory_space<hbm>> -> memref<8x1024xf32, #tpu.memory_space<hbm>>
      %dma_start3A_356 = arith.constant 0 : i32
      %dma_start3A_357 = tpu.memref_slice %arg4[%select_n3A, %add3A_347, %dma_start3A_356] : memref<4x4096x1024xf32, #tpu.memory_space<hbm>> -> memref<1x8x1024xf32, #tpu.memory_space<hbm>>
      %dma_start3A_358 = tpu.memref_squeeze %dma_start3A_357 : memref<1x8x1024xf32, #tpu.memory_space<hbm>> -> memref<8x1024xf32, #tpu.memory_space<hbm>>
      %dma_start3A_359 = arith.constant 0 : i32
      %dma_start3A_360 = arith.constant 0 : i32
      %dma_start3A_361 = tpu.memref_slice %arg6[%dma_start3A_348, %dma_start3A_359, %dma_start3A_360] : memref<8x8x1024xf32, #tpu.memory_space<vmem>> -> memref<1x8x1024xf32, #tpu.memory_space<vmem>>
      %dma_start3A_362 = tpu.memref_squeeze %dma_start3A_361 : memref<1x8x1024xf32, #tpu.memory_space<vmem>> -> memref<8x1024xf32, #tpu.memory_space<vmem>>
      tpu.enqueue_dma source(%dma_start3A_362 : memref<8x1024xf32, #tpu.memory_space<vmem>>) target(%dma_start3A_358 : memref<8x1024xf32, #tpu.memory_space<hbm>>) target_semaphore(%arg19 : memref<!tpu.dma_semaphore, #tpu.memory_space<semaphore_mem>>)
      %add3A_363 = arith.constant 4 : i32
      %add3A_364 = arith.addi %mul3A_146, %add3A_363 : i32
      %mul3A_365 = arith.constant 8 : i32
      %mul3A_366 = arith.muli %add3A_364, %mul3A_365 : i32
      %dma_wait3A_367 = arith.constant 4 : i32
      %dma_wait3A_368 = arith.constant 0 : i32
      %dma_wait3A_369 = arith.constant 0 : i32
      %dma_wait3A_370 = tpu.memref_slice %arg6[%dma_wait3A_367, %dma_wait3A_368, %dma_wait3A_369] : memref<8x8x1024xf32, #tpu.memory_space<vmem>> -> memref<1x8x1024xf32, #tpu.memory_space<vmem>>
      %dma_wait3A_371 = tpu.memref_squeeze %dma_wait3A_370 : memref<1x8x1024xf32, #tpu.memory_space<vmem>> -> memref<8x1024xf32, #tpu.memory_space<vmem>>
      %dma_wait3A_372 = tpu.memref_slice %arg5[%mul3A_366] : memref<512xi32, #tpu.memory_space<vmem>> -> memref<8xi32, #tpu.memory_space<vmem>>
      %dma_wait3A_373 = arith.constant 0 : i32
      %dma_wait3A_374 = arith.constant 0 : i32
      %dma_wait3A_375 = tpu.memref_slice %arg3[%dma_wait3A_373, %dma_wait3A_374] : memref<100000x1024xf32, #tpu.memory_space<hbm>> -> memref<100000x1024xf32, #tpu.memory_space<hbm>>
      tpu.wait_indirect_dma semaphore(%arg12 : memref<!tpu.dma_semaphore, #tpu.memory_space<semaphore_mem>>) src(%dma_wait3A_375 : memref<100000x1024xf32, #tpu.memory_space<hbm>>) dst(%dma_wait3A_371 : memref<8x1024xf32, #tpu.memory_space<vmem>>)
      %sub3A_376 = arith.constant 1 : i32
      %sub3A_377 = arith.subi %add3A_364, %sub3A_376 : i32
      %mul3A_378 = arith.constant 8 : i32
      %mul3A_379 = arith.muli %sub3A_377, %mul3A_378 : i32
      %add3A_380 = arith.addi %mul3A_32, %mul3A_379 : i32
      %dma_wait3A_381 = arith.constant 3 : i32
      %dma_wait3A_382 = arith.constant 0 : i32
      %dma_wait3A_383 = arith.constant 0 : i32
      %dma_wait3A_384 = tpu.memref_slice %arg6[%dma_wait3A_381, %dma_wait3A_382, %dma_wait3A_383] : memref<8x8x1024xf32, #tpu.memory_space<vmem>> -> memref<1x8x1024xf32, #tpu.memory_space<vmem>>
      %dma_wait3A_385 = tpu.memref_squeeze %dma_wait3A_384 : memref<1x8x1024xf32, #tpu.memory_space<vmem>> -> memref<8x1024xf32, #tpu.memory_space<vmem>>
      %dma_wait3A_386 = arith.constant 0 : i32
      %dma_wait3A_387 = tpu.memref_slice %arg4[%select_n3A, %add3A_380, %dma_wait3A_386] : memref<4x4096x1024xf32, #tpu.memory_space<hbm>> -> memref<1x8x1024xf32, #tpu.memory_space<hbm>>
      %dma_wait3A_388 = tpu.memref_squeeze %dma_wait3A_387 : memref<1x8x1024xf32, #tpu.memory_space<hbm>> -> memref<8x1024xf32, #tpu.memory_space<hbm>>
      %dma_wait3A_389 = arith.constant 0 : i32
      %dma_wait3A_390 = tpu.memref_slice %arg4[%select_n3A, %add3A_380, %dma_wait3A_389] : memref<4x4096x1024xf32, #tpu.memory_space<hbm>> -> memref<1x8x1024xf32, #tpu.memory_space<hbm>>
      %dma_wait3A_391 = tpu.memref_squeeze %dma_wait3A_390 : memref<1x8x1024xf32, #tpu.memory_space<hbm>> -> memref<8x1024xf32, #tpu.memory_space<hbm>>
      %dma_wait3A_392 = arith.constant 0 : i32
      %dma_wait3A_393 = arith.constant 0 : i32
      %dma_wait3A_394 = tpu.memref_slice %arg6[%dma_wait3A_381, %dma_wait3A_392, %dma_wait3A_393] : memref<8x8x1024xf32, #tpu.memory_space<vmem>> -> memref<1x8x1024xf32, #tpu.memory_space<vmem>>
      %dma_wait3A_395 = tpu.memref_squeeze %dma_wait3A_394 : memref<1x8x1024xf32, #tpu.memory_space<vmem>> -> memref<8x1024xf32, #tpu.memory_space<vmem>>
      tpu.wait_dma2 semaphore(%arg19 : memref<!tpu.dma_semaphore, #tpu.memory_space<semaphore_mem>>) src(%dma_wait3A_395 : memref<8x1024xf32, #tpu.memory_space<vmem>>) dst(%dma_wait3A_391 : memref<8x1024xf32, #tpu.memory_space<hbm>>)
      %lt3A_396 = arith.constant 7 : i32
      %lt3A_397 = arith.cmpi slt, %add3A_144, %lt3A_396 : i32
      %convert_element_type3A_398 = arith.extui %lt3A_397 : i1 to i32
      %cond3A_399 = arith.constant 0 : i32
      %cond3A_400 = arith.cmpi ne, %convert_element_type3A_398, %cond3A_399 : i32
      scf.if %cond3A_400 {
        %add3A_587 = arith.constant 8 : i32
        %add3A_588 = arith.addi %add3A_364, %add3A_587 : i32
        %sub3A_589 = arith.constant 1 : i32
        %sub3A_590 = arith.subi %add3A_588, %sub3A_589 : i32
        %mul3A_591 = arith.constant 8 : i32
        %mul3A_592 = arith.muli %sub3A_590, %mul3A_591 : i32
        %dma_start3A_593 = arith.constant 3 : i32
        %dma_start3A_594 = arith.constant 0 : i32
        %dma_start3A_595 = arith.constant 0 : i32
        %dma_start3A_596 = tpu.memref_slice %arg6[%dma_start3A_593, %dma_start3A_594, %dma_start3A_595] : memref<8x8x1024xf32, #tpu.memory_space<vmem>> -> memref<1x8x1024xf32, #tpu.memory_space<vmem>>
        %dma_start3A_597 = tpu.memref_squeeze %dma_start3A_596 : memref<1x8x1024xf32, #tpu.memory_space<vmem>> -> memref<8x1024xf32, #tpu.memory_space<vmem>>
        %dma_start3A_598 = tpu.memref_slice %arg5[%mul3A_592] : memref<512xi32, #tpu.memory_space<vmem>> -> memref<8xi32, #tpu.memory_space<vmem>>
        %dma_start3A_599 = arith.constant 0 : i32
        %dma_start3A_600 = arith.constant 0 : i32
        %dma_start3A_601 = tpu.memref_slice %arg3[%dma_start3A_599, %dma_start3A_600] : memref<100000x1024xf32, #tpu.memory_space<hbm>> -> memref<100000x1024xf32, #tpu.memory_space<hbm>>
        tpu.enqueue_indirect_dma source(%dma_start3A_601 : memref<100000x1024xf32, #tpu.memory_space<hbm>>) target(%dma_start3A_597 : memref<8x1024xf32, #tpu.memory_space<vmem>>) offsets(%dma_start3A_598 : memref<8xi32, #tpu.memory_space<vmem>>) semaphore(%arg11 : memref<!tpu.dma_semaphore, #tpu.memory_space<semaphore_mem>>)
      } else {
      }
      %mul3A_401 = arith.constant 8 : i32
      %mul3A_402 = arith.muli %add3A_364, %mul3A_401 : i32
      %add3A_403 = arith.addi %mul3A_32, %mul3A_402 : i32
      %dma_start3A_404 = arith.constant 4 : i32
      %dma_start3A_405 = arith.constant 0 : i32
      %dma_start3A_406 = arith.constant 0 : i32
      %dma_start3A_407 = tpu.memref_slice %arg6[%dma_start3A_404, %dma_start3A_405, %dma_start3A_406] : memref<8x8x1024xf32, #tpu.memory_space<vmem>> -> memref<1x8x1024xf32, #tpu.memory_space<vmem>>
      %dma_start3A_408 = tpu.memref_squeeze %dma_start3A_407 : memref<1x8x1024xf32, #tpu.memory_space<vmem>> -> memref<8x1024xf32, #tpu.memory_space<vmem>>
      %dma_start3A_409 = arith.constant 0 : i32
      %dma_start3A_410 = tpu.memref_slice %arg4[%select_n3A, %add3A_403, %dma_start3A_409] : memref<4x4096x1024xf32, #tpu.memory_space<hbm>> -> memref<1x8x1024xf32, #tpu.memory_space<hbm>>
      %dma_start3A_411 = tpu.memref_squeeze %dma_start3A_410 : memref<1x8x1024xf32, #tpu.memory_space<hbm>> -> memref<8x1024xf32, #tpu.memory_space<hbm>>
      %dma_start3A_412 = arith.constant 0 : i32
      %dma_start3A_413 = tpu.memref_slice %arg4[%select_n3A, %add3A_403, %dma_start3A_412] : memref<4x4096x1024xf32, #tpu.memory_space<hbm>> -> memref<1x8x1024xf32, #tpu.memory_space<hbm>>
      %dma_start3A_414 = tpu.memref_squeeze %dma_start3A_413 : memref<1x8x1024xf32, #tpu.memory_space<hbm>> -> memref<8x1024xf32, #tpu.memory_space<hbm>>
      %dma_start3A_415 = arith.constant 0 : i32
      %dma_start3A_416 = arith.constant 0 : i32
      %dma_start3A_417 = tpu.memref_slice %arg6[%dma_start3A_404, %dma_start3A_415, %dma_start3A_416] : memref<8x8x1024xf32, #tpu.memory_space<vmem>> -> memref<1x8x1024xf32, #tpu.memory_space<vmem>>
      %dma_start3A_418 = tpu.memref_squeeze %dma_start3A_417 : memref<1x8x1024xf32, #tpu.memory_space<vmem>> -> memref<8x1024xf32, #tpu.memory_space<vmem>>
      tpu.enqueue_dma source(%dma_start3A_418 : memref<8x1024xf32, #tpu.memory_space<vmem>>) target(%dma_start3A_414 : memref<8x1024xf32, #tpu.memory_space<hbm>>) target_semaphore(%arg20 : memref<!tpu.dma_semaphore, #tpu.memory_space<semaphore_mem>>)
      %add3A_419 = arith.constant 5 : i32
      %add3A_420 = arith.addi %mul3A_146, %add3A_419 : i32
      %mul3A_421 = arith.constant 8 : i32
      %mul3A_422 = arith.muli %add3A_420, %mul3A_421 : i32
      %dma_wait3A_423 = arith.constant 5 : i32
      %dma_wait3A_424 = arith.constant 0 : i32
      %dma_wait3A_425 = arith.constant 0 : i32
      %dma_wait3A_426 = tpu.memref_slice %arg6[%dma_wait3A_423, %dma_wait3A_424, %dma_wait3A_425] : memref<8x8x1024xf32, #tpu.memory_space<vmem>> -> memref<1x8x1024xf32, #tpu.memory_space<vmem>>
      %dma_wait3A_427 = tpu.memref_squeeze %dma_wait3A_426 : memref<1x8x1024xf32, #tpu.memory_space<vmem>> -> memref<8x1024xf32, #tpu.memory_space<vmem>>
      %dma_wait3A_428 = tpu.memref_slice %arg5[%mul3A_422] : memref<512xi32, #tpu.memory_space<vmem>> -> memref<8xi32, #tpu.memory_space<vmem>>
      %dma_wait3A_429 = arith.constant 0 : i32
      %dma_wait3A_430 = arith.constant 0 : i32
      %dma_wait3A_431 = tpu.memref_slice %arg3[%dma_wait3A_429, %dma_wait3A_430] : memref<100000x1024xf32, #tpu.memory_space<hbm>> -> memref<100000x1024xf32, #tpu.memory_space<hbm>>
      tpu.wait_indirect_dma semaphore(%arg13 : memref<!tpu.dma_semaphore, #tpu.memory_space<semaphore_mem>>) src(%dma_wait3A_431 : memref<100000x1024xf32, #tpu.memory_space<hbm>>) dst(%dma_wait3A_427 : memref<8x1024xf32, #tpu.memory_space<vmem>>)
      %sub3A_432 = arith.constant 1 : i32
      %sub3A_433 = arith.subi %add3A_420, %sub3A_432 : i32
      %mul3A_434 = arith.constant 8 : i32
      %mul3A_435 = arith.muli %sub3A_433, %mul3A_434 : i32
      %add3A_436 = arith.addi %mul3A_32, %mul3A_435 : i32
      %dma_wait3A_437 = arith.constant 4 : i32
      %dma_wait3A_438 = arith.constant 0 : i32
      %dma_wait3A_439 = arith.constant 0 : i32
      %dma_wait3A_440 = tpu.memref_slice %arg6[%dma_wait3A_437, %dma_wait3A_438, %dma_wait3A_439] : memref<8x8x1024xf32, #tpu.memory_space<vmem>> -> memref<1x8x1024xf32, #tpu.memory_space<vmem>>
      %dma_wait3A_441 = tpu.memref_squeeze %dma_wait3A_440 : memref<1x8x1024xf32, #tpu.memory_space<vmem>> -> memref<8x1024xf32, #tpu.memory_space<vmem>>
      %dma_wait3A_442 = arith.constant 0 : i32
      %dma_wait3A_443 = tpu.memref_slice %arg4[%select_n3A, %add3A_436, %dma_wait3A_442] : memref<4x4096x1024xf32, #tpu.memory_space<hbm>> -> memref<1x8x1024xf32, #tpu.memory_space<hbm>>
      %dma_wait3A_444 = tpu.memref_squeeze %dma_wait3A_443 : memref<1x8x1024xf32, #tpu.memory_space<hbm>> -> memref<8x1024xf32, #tpu.memory_space<hbm>>
      %dma_wait3A_445 = arith.constant 0 : i32
      %dma_wait3A_446 = tpu.memref_slice %arg4[%select_n3A, %add3A_436, %dma_wait3A_445] : memref<4x4096x1024xf32, #tpu.memory_space<hbm>> -> memref<1x8x1024xf32, #tpu.memory_space<hbm>>
      %dma_wait3A_447 = tpu.memref_squeeze %dma_wait3A_446 : memref<1x8x1024xf32, #tpu.memory_space<hbm>> -> memref<8x1024xf32, #tpu.memory_space<hbm>>
      %dma_wait3A_448 = arith.constant 0 : i32
      %dma_wait3A_449 = arith.constant 0 : i32
      %dma_wait3A_450 = tpu.memref_slice %arg6[%dma_wait3A_437, %dma_wait3A_448, %dma_wait3A_449] : memref<8x8x1024xf32, #tpu.memory_space<vmem>> -> memref<1x8x1024xf32, #tpu.memory_space<vmem>>
      %dma_wait3A_451 = tpu.memref_squeeze %dma_wait3A_450 : memref<1x8x1024xf32, #tpu.memory_space<vmem>> -> memref<8x1024xf32, #tpu.memory_space<vmem>>
      tpu.wait_dma2 semaphore(%arg20 : memref<!tpu.dma_semaphore, #tpu.memory_space<semaphore_mem>>) src(%dma_wait3A_451 : memref<8x1024xf32, #tpu.memory_space<vmem>>) dst(%dma_wait3A_447 : memref<8x1024xf32, #tpu.memory_space<hbm>>)
      %lt3A_452 = arith.constant 7 : i32
      %lt3A_453 = arith.cmpi slt, %add3A_144, %lt3A_452 : i32
      %convert_element_type3A_454 = arith.extui %lt3A_453 : i1 to i32
      %cond3A_455 = arith.constant 0 : i32
      %cond3A_456 = arith.cmpi ne, %convert_element_type3A_454, %cond3A_455 : i32
      scf.if %cond3A_456 {
        %add3A_587 = arith.constant 8 : i32
        %add3A_588 = arith.addi %add3A_420, %add3A_587 : i32
        %sub3A_589 = arith.constant 1 : i32
        %sub3A_590 = arith.subi %add3A_588, %sub3A_589 : i32
        %mul3A_591 = arith.constant 8 : i32
        %mul3A_592 = arith.muli %sub3A_590, %mul3A_591 : i32
        %dma_start3A_593 = arith.constant 4 : i32
        %dma_start3A_594 = arith.constant 0 : i32
        %dma_start3A_595 = arith.constant 0 : i32
        %dma_start3A_596 = tpu.memref_slice %arg6[%dma_start3A_593, %dma_start3A_594, %dma_start3A_595] : memref<8x8x1024xf32, #tpu.memory_space<vmem>> -> memref<1x8x1024xf32, #tpu.memory_space<vmem>>
        %dma_start3A_597 = tpu.memref_squeeze %dma_start3A_596 : memref<1x8x1024xf32, #tpu.memory_space<vmem>> -> memref<8x1024xf32, #tpu.memory_space<vmem>>
        %dma_start3A_598 = tpu.memref_slice %arg5[%mul3A_592] : memref<512xi32, #tpu.memory_space<vmem>> -> memref<8xi32, #tpu.memory_space<vmem>>
        %dma_start3A_599 = arith.constant 0 : i32
        %dma_start3A_600 = arith.constant 0 : i32
        %dma_start3A_601 = tpu.memref_slice %arg3[%dma_start3A_599, %dma_start3A_600] : memref<100000x1024xf32, #tpu.memory_space<hbm>> -> memref<100000x1024xf32, #tpu.memory_space<hbm>>
        tpu.enqueue_indirect_dma source(%dma_start3A_601 : memref<100000x1024xf32, #tpu.memory_space<hbm>>) target(%dma_start3A_597 : memref<8x1024xf32, #tpu.memory_space<vmem>>) offsets(%dma_start3A_598 : memref<8xi32, #tpu.memory_space<vmem>>) semaphore(%arg12 : memref<!tpu.dma_semaphore, #tpu.memory_space<semaphore_mem>>)
      } else {
      }
      %mul3A_457 = arith.constant 8 : i32
      %mul3A_458 = arith.muli %add3A_420, %mul3A_457 : i32
      %add3A_459 = arith.addi %mul3A_32, %mul3A_458 : i32
      %dma_start3A_460 = arith.constant 5 : i32
      %dma_start3A_461 = arith.constant 0 : i32
      %dma_start3A_462 = arith.constant 0 : i32
      %dma_start3A_463 = tpu.memref_slice %arg6[%dma_start3A_460, %dma_start3A_461, %dma_start3A_462] : memref<8x8x1024xf32, #tpu.memory_space<vmem>> -> memref<1x8x1024xf32, #tpu.memory_space<vmem>>
      %dma_start3A_464 = tpu.memref_squeeze %dma_start3A_463 : memref<1x8x1024xf32, #tpu.memory_space<vmem>> -> memref<8x1024xf32, #tpu.memory_space<vmem>>
      %dma_start3A_465 = arith.constant 0 : i32
      %dma_start3A_466 = tpu.memref_slice %arg4[%select_n3A, %add3A_459, %dma_start3A_465] : memref<4x4096x1024xf32, #tpu.memory_space<hbm>> -> memref<1x8x1024xf32, #tpu.memory_space<hbm>>
      %dma_start3A_467 = tpu.memref_squeeze %dma_start3A_466 : memref<1x8x1024xf32, #tpu.memory_space<hbm>> -> memref<8x1024xf32, #tpu.memory_space<hbm>>
      %dma_start3A_468 = arith.constant 0 : i32
      %dma_start3A_469 = tpu.memref_slice %arg4[%select_n3A, %add3A_459, %dma_start3A_468] : memref<4x4096x1024xf32, #tpu.memory_space<hbm>> -> memref<1x8x1024xf32, #tpu.memory_space<hbm>>
      %dma_start3A_470 = tpu.memref_squeeze %dma_start3A_469 : memref<1x8x1024xf32, #tpu.memory_space<hbm>> -> memref<8x1024xf32, #tpu.memory_space<hbm>>
      %dma_start3A_471 = arith.constant 0 : i32
      %dma_start3A_472 = arith.constant 0 : i32
      %dma_start3A_473 = tpu.memref_slice %arg6[%dma_start3A_460, %dma_start3A_471, %dma_start3A_472] : memref<8x8x1024xf32, #tpu.memory_space<vmem>> -> memref<1x8x1024xf32, #tpu.memory_space<vmem>>
      %dma_start3A_474 = tpu.memref_squeeze %dma_start3A_473 : memref<1x8x1024xf32, #tpu.memory_space<vmem>> -> memref<8x1024xf32, #tpu.memory_space<vmem>>
      tpu.enqueue_dma source(%dma_start3A_474 : memref<8x1024xf32, #tpu.memory_space<vmem>>) target(%dma_start3A_470 : memref<8x1024xf32, #tpu.memory_space<hbm>>) target_semaphore(%arg21 : memref<!tpu.dma_semaphore, #tpu.memory_space<semaphore_mem>>)
      %add3A_475 = arith.constant 6 : i32
      %add3A_476 = arith.addi %mul3A_146, %add3A_475 : i32
      %mul3A_477 = arith.constant 8 : i32
      %mul3A_478 = arith.muli %add3A_476, %mul3A_477 : i32
      %dma_wait3A_479 = arith.constant 6 : i32
      %dma_wait3A_480 = arith.constant 0 : i32
      %dma_wait3A_481 = arith.constant 0 : i32
      %dma_wait3A_482 = tpu.memref_slice %arg6[%dma_wait3A_479, %dma_wait3A_480, %dma_wait3A_481] : memref<8x8x1024xf32, #tpu.memory_space<vmem>> -> memref<1x8x1024xf32, #tpu.memory_space<vmem>>
      %dma_wait3A_483 = tpu.memref_squeeze %dma_wait3A_482 : memref<1x8x1024xf32, #tpu.memory_space<vmem>> -> memref<8x1024xf32, #tpu.memory_space<vmem>>
      %dma_wait3A_484 = tpu.memref_slice %arg5[%mul3A_478] : memref<512xi32, #tpu.memory_space<vmem>> -> memref<8xi32, #tpu.memory_space<vmem>>
      %dma_wait3A_485 = arith.constant 0 : i32
      %dma_wait3A_486 = arith.constant 0 : i32
      %dma_wait3A_487 = tpu.memref_slice %arg3[%dma_wait3A_485, %dma_wait3A_486] : memref<100000x1024xf32, #tpu.memory_space<hbm>> -> memref<100000x1024xf32, #tpu.memory_space<hbm>>
      tpu.wait_indirect_dma semaphore(%arg14 : memref<!tpu.dma_semaphore, #tpu.memory_space<semaphore_mem>>) src(%dma_wait3A_487 : memref<100000x1024xf32, #tpu.memory_space<hbm>>) dst(%dma_wait3A_483 : memref<8x1024xf32, #tpu.memory_space<vmem>>)
      %sub3A_488 = arith.constant 1 : i32
      %sub3A_489 = arith.subi %add3A_476, %sub3A_488 : i32
      %mul3A_490 = arith.constant 8 : i32
      %mul3A_491 = arith.muli %sub3A_489, %mul3A_490 : i32
      %add3A_492 = arith.addi %mul3A_32, %mul3A_491 : i32
      %dma_wait3A_493 = arith.constant 5 : i32
      %dma_wait3A_494 = arith.constant 0 : i32
      %dma_wait3A_495 = arith.constant 0 : i32
      %dma_wait3A_496 = tpu.memref_slice %arg6[%dma_wait3A_493, %dma_wait3A_494, %dma_wait3A_495] : memref<8x8x1024xf32, #tpu.memory_space<vmem>> -> memref<1x8x1024xf32, #tpu.memory_space<vmem>>
      %dma_wait3A_497 = tpu.memref_squeeze %dma_wait3A_496 : memref<1x8x1024xf32, #tpu.memory_space<vmem>> -> memref<8x1024xf32, #tpu.memory_space<vmem>>
      %dma_wait3A_498 = arith.constant 0 : i32
      %dma_wait3A_499 = tpu.memref_slice %arg4[%select_n3A, %add3A_492, %dma_wait3A_498] : memref<4x4096x1024xf32, #tpu.memory_space<hbm>> -> memref<1x8x1024xf32, #tpu.memory_space<hbm>>
      %dma_wait3A_500 = tpu.memref_squeeze %dma_wait3A_499 : memref<1x8x1024xf32, #tpu.memory_space<hbm>> -> memref<8x1024xf32, #tpu.memory_space<hbm>>
      %dma_wait3A_501 = arith.constant 0 : i32
      %dma_wait3A_502 = tpu.memref_slice %arg4[%select_n3A, %add3A_492, %dma_wait3A_501] : memref<4x4096x1024xf32, #tpu.memory_space<hbm>> -> memref<1x8x1024xf32, #tpu.memory_space<hbm>>
      %dma_wait3A_503 = tpu.memref_squeeze %dma_wait3A_502 : memref<1x8x1024xf32, #tpu.memory_space<hbm>> -> memref<8x1024xf32, #tpu.memory_space<hbm>>
      %dma_wait3A_504 = arith.constant 0 : i32
      %dma_wait3A_505 = arith.constant 0 : i32
      %dma_wait3A_506 = tpu.memref_slice %arg6[%dma_wait3A_493, %dma_wait3A_504, %dma_wait3A_505] : memref<8x8x1024xf32, #tpu.memory_space<vmem>> -> memref<1x8x1024xf32, #tpu.memory_space<vmem>>
      %dma_wait3A_507 = tpu.memref_squeeze %dma_wait3A_506 : memref<1x8x1024xf32, #tpu.memory_space<vmem>> -> memref<8x1024xf32, #tpu.memory_space<vmem>>
      tpu.wait_dma2 semaphore(%arg21 : memref<!tpu.dma_semaphore, #tpu.memory_space<semaphore_mem>>) src(%dma_wait3A_507 : memref<8x1024xf32, #tpu.memory_space<vmem>>) dst(%dma_wait3A_503 : memref<8x1024xf32, #tpu.memory_space<hbm>>)
      %lt3A_508 = arith.constant 7 : i32
      %lt3A_509 = arith.cmpi slt, %add3A_144, %lt3A_508 : i32
      %convert_element_type3A_510 = arith.extui %lt3A_509 : i1 to i32
      %cond3A_511 = arith.constant 0 : i32
      %cond3A_512 = arith.cmpi ne, %convert_element_type3A_510, %cond3A_511 : i32
      scf.if %cond3A_512 {
        %add3A_587 = arith.constant 8 : i32
        %add3A_588 = arith.addi %add3A_476, %add3A_587 : i32
        %sub3A_589 = arith.constant 1 : i32
        %sub3A_590 = arith.subi %add3A_588, %sub3A_589 : i32
        %mul3A_591 = arith.constant 8 : i32
        %mul3A_592 = arith.muli %sub3A_590, %mul3A_591 : i32
        %dma_start3A_593 = arith.constant 5 : i32
        %dma_start3A_594 = arith.constant 0 : i32
        %dma_start3A_595 = arith.constant 0 : i32
        %dma_start3A_596 = tpu.memref_slice %arg6[%dma_start3A_593, %dma_start3A_594, %dma_start3A_595] : memref<8x8x1024xf32, #tpu.memory_space<vmem>> -> memref<1x8x1024xf32, #tpu.memory_space<vmem>>
        %dma_start3A_597 = tpu.memref_squeeze %dma_start3A_596 : memref<1x8x1024xf32, #tpu.memory_space<vmem>> -> memref<8x1024xf32, #tpu.memory_space<vmem>>
        %dma_start3A_598 = tpu.memref_slice %arg5[%mul3A_592] : memref<512xi32, #tpu.memory_space<vmem>> -> memref<8xi32, #tpu.memory_space<vmem>>
        %dma_start3A_599 = arith.constant 0 : i32
        %dma_start3A_600 = arith.constant 0 : i32
        %dma_start3A_601 = tpu.memref_slice %arg3[%dma_start3A_599, %dma_start3A_600] : memref<100000x1024xf32, #tpu.memory_space<hbm>> -> memref<100000x1024xf32, #tpu.memory_space<hbm>>
        tpu.enqueue_indirect_dma source(%dma_start3A_601 : memref<100000x1024xf32, #tpu.memory_space<hbm>>) target(%dma_start3A_597 : memref<8x1024xf32, #tpu.memory_space<vmem>>) offsets(%dma_start3A_598 : memref<8xi32, #tpu.memory_space<vmem>>) semaphore(%arg13 : memref<!tpu.dma_semaphore, #tpu.memory_space<semaphore_mem>>)
      } else {
      }
      %mul3A_513 = arith.constant 8 : i32
      %mul3A_514 = arith.muli %add3A_476, %mul3A_513 : i32
      %add3A_515 = arith.addi %mul3A_32, %mul3A_514 : i32
      %dma_start3A_516 = arith.constant 6 : i32
      %dma_start3A_517 = arith.constant 0 : i32
      %dma_start3A_518 = arith.constant 0 : i32
      %dma_start3A_519 = tpu.memref_slice %arg6[%dma_start3A_516, %dma_start3A_517, %dma_start3A_518] : memref<8x8x1024xf32, #tpu.memory_space<vmem>> -> memref<1x8x1024xf32, #tpu.memory_space<vmem>>
      %dma_start3A_520 = tpu.memref_squeeze %dma_start3A_519 : memref<1x8x1024xf32, #tpu.memory_space<vmem>> -> memref<8x1024xf32, #tpu.memory_space<vmem>>
      %dma_start3A_521 = arith.constant 0 : i32
      %dma_start3A_522 = tpu.memref_slice %arg4[%select_n3A, %add3A_515, %dma_start3A_521] : memref<4x4096x1024xf32, #tpu.memory_space<hbm>> -> memref<1x8x1024xf32, #tpu.memory_space<hbm>>
      %dma_start3A_523 = tpu.memref_squeeze %dma_start3A_522 : memref<1x8x1024xf32, #tpu.memory_space<hbm>> -> memref<8x1024xf32, #tpu.memory_space<hbm>>
      %dma_start3A_524 = arith.constant 0 : i32
      %dma_start3A_525 = tpu.memref_slice %arg4[%select_n3A, %add3A_515, %dma_start3A_524] : memref<4x4096x1024xf32, #tpu.memory_space<hbm>> -> memref<1x8x1024xf32, #tpu.memory_space<hbm>>
      %dma_start3A_526 = tpu.memref_squeeze %dma_start3A_525 : memref<1x8x1024xf32, #tpu.memory_space<hbm>> -> memref<8x1024xf32, #tpu.memory_space<hbm>>
      %dma_start3A_527 = arith.constant 0 : i32
      %dma_start3A_528 = arith.constant 0 : i32
      %dma_start3A_529 = tpu.memref_slice %arg6[%dma_start3A_516, %dma_start3A_527, %dma_start3A_528] : memref<8x8x1024xf32, #tpu.memory_space<vmem>> -> memref<1x8x1024xf32, #tpu.memory_space<vmem>>
      %dma_start3A_530 = tpu.memref_squeeze %dma_start3A_529 : memref<1x8x1024xf32, #tpu.memory_space<vmem>> -> memref<8x1024xf32, #tpu.memory_space<vmem>>
      tpu.enqueue_dma source(%dma_start3A_530 : memref<8x1024xf32, #tpu.memory_space<vmem>>) target(%dma_start3A_526 : memref<8x1024xf32, #tpu.memory_space<hbm>>) target_semaphore(%arg22 : memref<!tpu.dma_semaphore, #tpu.memory_space<semaphore_mem>>)
      %add3A_531 = arith.constant 7 : i32
      %add3A_532 = arith.addi %mul3A_146, %add3A_531 : i32
      %mul3A_533 = arith.constant 8 : i32
      %mul3A_534 = arith.muli %add3A_532, %mul3A_533 : i32
      %dma_wait3A_535 = arith.constant 7 : i32
      %dma_wait3A_536 = arith.constant 0 : i32
      %dma_wait3A_537 = arith.constant 0 : i32
      %dma_wait3A_538 = tpu.memref_slice %arg6[%dma_wait3A_535, %dma_wait3A_536, %dma_wait3A_537] : memref<8x8x1024xf32, #tpu.memory_space<vmem>> -> memref<1x8x1024xf32, #tpu.memory_space<vmem>>
      %dma_wait3A_539 = tpu.memref_squeeze %dma_wait3A_538 : memref<1x8x1024xf32, #tpu.memory_space<vmem>> -> memref<8x1024xf32, #tpu.memory_space<vmem>>
      %dma_wait3A_540 = tpu.memref_slice %arg5[%mul3A_534] : memref<512xi32, #tpu.memory_space<vmem>> -> memref<8xi32, #tpu.memory_space<vmem>>
      %dma_wait3A_541 = arith.constant 0 : i32
      %dma_wait3A_542 = arith.constant 0 : i32
      %dma_wait3A_543 = tpu.memref_slice %arg3[%dma_wait3A_541, %dma_wait3A_542] : memref<100000x1024xf32, #tpu.memory_space<hbm>> -> memref<100000x1024xf32, #tpu.memory_space<hbm>>
      tpu.wait_indirect_dma semaphore(%arg15 : memref<!tpu.dma_semaphore, #tpu.memory_space<semaphore_mem>>) src(%dma_wait3A_543 : memref<100000x1024xf32, #tpu.memory_space<hbm>>) dst(%dma_wait3A_539 : memref<8x1024xf32, #tpu.memory_space<vmem>>)
      %sub3A_544 = arith.constant 1 : i32
      %sub3A_545 = arith.subi %add3A_532, %sub3A_544 : i32
      %mul3A_546 = arith.constant 8 : i32
      %mul3A_547 = arith.muli %sub3A_545, %mul3A_546 : i32
      %add3A_548 = arith.addi %mul3A_32, %mul3A_547 : i32
      %dma_wait3A_549 = arith.constant 6 : i32
      %dma_wait3A_550 = arith.constant 0 : i32
      %dma_wait3A_551 = arith.constant 0 : i32
      %dma_wait3A_552 = tpu.memref_slice %arg6[%dma_wait3A_549, %dma_wait3A_550, %dma_wait3A_551] : memref<8x8x1024xf32, #tpu.memory_space<vmem>> -> memref<1x8x1024xf32, #tpu.memory_space<vmem>>
      %dma_wait3A_553 = tpu.memref_squeeze %dma_wait3A_552 : memref<1x8x1024xf32, #tpu.memory_space<vmem>> -> memref<8x1024xf32, #tpu.memory_space<vmem>>
      %dma_wait3A_554 = arith.constant 0 : i32
      %dma_wait3A_555 = tpu.memref_slice %arg4[%select_n3A, %add3A_548, %dma_wait3A_554] : memref<4x4096x1024xf32, #tpu.memory_space<hbm>> -> memref<1x8x1024xf32, #tpu.memory_space<hbm>>
      %dma_wait3A_556 = tpu.memref_squeeze %dma_wait3A_555 : memref<1x8x1024xf32, #tpu.memory_space<hbm>> -> memref<8x1024xf32, #tpu.memory_space<hbm>>
      %dma_wait3A_557 = arith.constant 0 : i32
      %dma_wait3A_558 = tpu.memref_slice %arg4[%select_n3A, %add3A_548, %dma_wait3A_557] : memref<4x4096x1024xf32, #tpu.memory_space<hbm>> -> memref<1x8x1024xf32, #tpu.memory_space<hbm>>
      %dma_wait3A_559 = tpu.memref_squeeze %dma_wait3A_558 : memref<1x8x1024xf32, #tpu.memory_space<hbm>> -> memref<8x1024xf32, #tpu.memory_space<hbm>>
      %dma_wait3A_560 = arith.constant 0 : i32
      %dma_wait3A_561 = arith.constant 0 : i32
      %dma_wait3A_562 = tpu.memref_slice %arg6[%dma_wait3A_549, %dma_wait3A_560, %dma_wait3A_561] : memref<8x8x1024xf32, #tpu.memory_space<vmem>> -> memref<1x8x1024xf32, #tpu.memory_space<vmem>>
      %dma_wait3A_563 = tpu.memref_squeeze %dma_wait3A_562 : memref<1x8x1024xf32, #tpu.memory_space<vmem>> -> memref<8x1024xf32, #tpu.memory_space<vmem>>
      tpu.wait_dma2 semaphore(%arg22 : memref<!tpu.dma_semaphore, #tpu.memory_space<semaphore_mem>>) src(%dma_wait3A_563 : memref<8x1024xf32, #tpu.memory_space<vmem>>) dst(%dma_wait3A_559 : memref<8x1024xf32, #tpu.memory_space<hbm>>)
      %lt3A_564 = arith.constant 7 : i32
      %lt3A_565 = arith.cmpi slt, %add3A_144, %lt3A_564 : i32
      %convert_element_type3A_566 = arith.extui %lt3A_565 : i1 to i32
      %cond3A_567 = arith.constant 0 : i32
      %cond3A_568 = arith.cmpi ne, %convert_element_type3A_566, %cond3A_567 : i32
      scf.if %cond3A_568 {
        %add3A_587 = arith.constant 8 : i32
        %add3A_588 = arith.addi %add3A_532, %add3A_587 : i32
        %sub3A_589 = arith.constant 1 : i32
        %sub3A_590 = arith.subi %add3A_588, %sub3A_589 : i32
        %mul3A_591 = arith.constant 8 : i32
        %mul3A_592 = arith.muli %sub3A_590, %mul3A_591 : i32
        %dma_start3A_593 = arith.constant 6 : i32
        %dma_start3A_594 = arith.constant 0 : i32
        %dma_start3A_595 = arith.constant 0 : i32
        %dma_start3A_596 = tpu.memref_slice %arg6[%dma_start3A_593, %dma_start3A_594, %dma_start3A_595] : memref<8x8x1024xf32, #tpu.memory_space<vmem>> -> memref<1x8x1024xf32, #tpu.memory_space<vmem>>
        %dma_start3A_597 = tpu.memref_squeeze %dma_start3A_596 : memref<1x8x1024xf32, #tpu.memory_space<vmem>> -> memref<8x1024xf32, #tpu.memory_space<vmem>>
        %dma_start3A_598 = tpu.memref_slice %arg5[%mul3A_592] : memref<512xi32, #tpu.memory_space<vmem>> -> memref<8xi32, #tpu.memory_space<vmem>>
        %dma_start3A_599 = arith.constant 0 : i32
        %dma_start3A_600 = arith.constant 0 : i32
        %dma_start3A_601 = tpu.memref_slice %arg3[%dma_start3A_599, %dma_start3A_600] : memref<100000x1024xf32, #tpu.memory_space<hbm>> -> memref<100000x1024xf32, #tpu.memory_space<hbm>>
        tpu.enqueue_indirect_dma source(%dma_start3A_601 : memref<100000x1024xf32, #tpu.memory_space<hbm>>) target(%dma_start3A_597 : memref<8x1024xf32, #tpu.memory_space<vmem>>) offsets(%dma_start3A_598 : memref<8xi32, #tpu.memory_space<vmem>>) semaphore(%arg14 : memref<!tpu.dma_semaphore, #tpu.memory_space<semaphore_mem>>)
      } else {
      }
      %mul3A_569 = arith.constant 8 : i32
      %mul3A_570 = arith.muli %add3A_532, %mul3A_569 : i32
      %add3A_571 = arith.addi %mul3A_32, %mul3A_570 : i32
      %dma_start3A_572 = arith.constant 7 : i32
      %dma_start3A_573 = arith.constant 0 : i32
      %dma_start3A_574 = arith.constant 0 : i32
      %dma_start3A_575 = tpu.memref_slice %arg6[%dma_start3A_572, %dma_start3A_573, %dma_start3A_574] : memref<8x8x1024xf32, #tpu.memory_space<vmem>> -> memref<1x8x1024xf32, #tpu.memory_space<vmem>>
      %dma_start3A_576 = tpu.memref_squeeze %dma_start3A_575 : memref<1x8x1024xf32, #tpu.memory_space<vmem>> -> memref<8x1024xf32, #tpu.memory_space<vmem>>
      %dma_start3A_577 = arith.constant 0 : i32
      %dma_start3A_578 = tpu.memref_slice %arg4[%select_n3A, %add3A_571, %dma_start3A_577] : memref<4x4096x1024xf32, #tpu.memory_space<hbm>> -> memref<1x8x1024xf32, #tpu.memory_space<hbm>>
      %dma_start3A_579 = tpu.memref_squeeze %dma_start3A_578 : memref<1x8x1024xf32, #tpu.memory_space<hbm>> -> memref<8x1024xf32, #tpu.memory_space<hbm>>
      %dma_start3A_580 = arith.constant 0 : i32
      %dma_start3A_581 = tpu.memref_slice %arg4[%select_n3A, %add3A_571, %dma_start3A_580] : memref<4x4096x1024xf32, #tpu.memory_space<hbm>> -> memref<1x8x1024xf32, #tpu.memory_space<hbm>>
      %dma_start3A_582 = tpu.memref_squeeze %dma_start3A_581 : memref<1x8x1024xf32, #tpu.memory_space<hbm>> -> memref<8x1024xf32, #tpu.memory_space<hbm>>
      %dma_start3A_583 = arith.constant 0 : i32
      %dma_start3A_584 = arith.constant 0 : i32
      %dma_start3A_585 = tpu.memref_slice %arg6[%dma_start3A_572, %dma_start3A_583, %dma_start3A_584] : memref<8x8x1024xf32, #tpu.memory_space<vmem>> -> memref<1x8x1024xf32, #tpu.memory_space<vmem>>
      %dma_start3A_586 = tpu.memref_squeeze %dma_start3A_585 : memref<1x8x1024xf32, #tpu.memory_space<vmem>> -> memref<8x1024xf32, #tpu.memory_space<vmem>>
      tpu.enqueue_dma source(%dma_start3A_586 : memref<8x1024xf32, #tpu.memory_space<vmem>>) target(%dma_start3A_582 : memref<8x1024xf32, #tpu.memory_space<hbm>>) target_semaphore(%arg23 : memref<!tpu.dma_semaphore, #tpu.memory_space<semaphore_mem>>)
    }
    %scan3A_122 = arith.constant 8 : i32
    %add3A_123 = arith.constant 504 : i32
    %add3A_124 = arith.addi %mul3A_32, %add3A_123 : i32
    %dma_wait3A_125 = arith.constant 7 : i32
    %dma_wait3A_126 = arith.constant 0 : i32
    %dma_wait3A_127 = arith.constant 0 : i32
    %dma_wait3A_128 = tpu.memref_slice %arg6[%dma_wait3A_125, %dma_wait3A_126, %dma_wait3A_127] : memref<8x8x1024xf32, #tpu.memory_space<vmem>> -> memref<1x8x1024xf32, #tpu.memory_space<vmem>>
    %dma_wait3A_129 = tpu.memref_squeeze %dma_wait3A_128 : memref<1x8x1024xf32, #tpu.memory_space<vmem>> -> memref<8x1024xf32, #tpu.memory_space<vmem>>
    %dma_wait3A_130 = arith.constant 0 : i32
    %dma_wait3A_131 = tpu.memref_slice %arg4[%select_n3A, %add3A_124, %dma_wait3A_130] : memref<4x4096x1024xf32, #tpu.memory_space<hbm>> -> memref<1x8x1024xf32, #tpu.memory_space<hbm>>
    %dma_wait3A_132 = tpu.memref_squeeze %dma_wait3A_131 : memref<1x8x1024xf32, #tpu.memory_space<hbm>> -> memref<8x1024xf32, #tpu.memory_space<hbm>>
    %dma_wait3A_133 = arith.constant 0 : i32
    %dma_wait3A_134 = tpu.memref_slice %arg4[%select_n3A, %add3A_124, %dma_wait3A_133] : memref<4x4096x1024xf32, #tpu.memory_space<hbm>> -> memref<1x8x1024xf32, #tpu.memory_space<hbm>>
    %dma_wait3A_135 = tpu.memref_squeeze %dma_wait3A_134 : memref<1x8x1024xf32, #tpu.memory_space<hbm>> -> memref<8x1024xf32, #tpu.memory_space<hbm>>
    %dma_wait3A_136 = arith.constant 0 : i32
    %dma_wait3A_137 = arith.constant 0 : i32
    %dma_wait3A_138 = tpu.memref_slice %arg6[%dma_wait3A_125, %dma_wait3A_136, %dma_wait3A_137] : memref<8x8x1024xf32, #tpu.memory_space<vmem>> -> memref<1x8x1024xf32, #tpu.memory_space<vmem>>
    %dma_wait3A_139 = tpu.memref_squeeze %dma_wait3A_138 : memref<1x8x1024xf32, #tpu.memory_space<vmem>> -> memref<8x1024xf32, #tpu.memory_space<vmem>>
    tpu.wait_dma2 semaphore(%arg23 : memref<!tpu.dma_semaphore, #tpu.memory_space<semaphore_mem>>) src(%dma_wait3A_139 : memref<8x1024xf32, #tpu.memory_space<vmem>>) dst(%dma_wait3A_135 : memref<8x1024xf32, #tpu.memory_space<hbm>>)
    return
  }
}

</mosaic_0001>

<sc_bundles>
// kernel: _emb.3.cloned.1.call-start
scs
__scs_entry_jumppad:
0x0: {  	(pc) =	sbr.rel $0x88, $3  }
0x1: {  	(tag) =	ssettag $0x0;
	lr =	simm.s32 $0x1  }
0x2: {  	[smem:$0x3F9F] =	sst lr;
	_ =	strace $0xD0000000  }
0x3: {  	_ = 	snop  }
0x4: {  	_ = 	snop  }
0x5: {  	_ = 	snop  }
0x6: {  	_ = 	snop  }
0x7: {  	_ = 	snop  }
__scs_overlays_trampoline_lowered:
0x8: {  	[smem:$0x3FAE] =	sst s0  }
0x9: {  	[smem:$0x3FAF] =	sst s1  }
0xa: {  	[smem:$0x3FB0] =	sst s2  }
0xb: {  	[smem:$0x3FB1] =	sst s3  }
0xc: {  	[smem:$0x3FB2] =	sst s4  }
0xd: {  	[smem:$0x3FB3] =	sst s5  }
0xe: {  	[smem:$0x3FB4] =	sst s6  }
0xf: {  	[smem:$0x3FB5] =	sst s7  }
0x10: {  	[smem:$0x3FB6] =	sst s8  }
0x11: {  	[smem:$0x3FB7] =	sst s9;
	s0 =	simm.s32 @!p0 $0x0  }
0x12: {  	s1 =	sld [smem:$0x3F9D];
	s0 =	simm.s32 @p0 $0x1  }
0x13: {  	[smem:$0x3FB8] =	sst s0;
	s0 =	simm.s32 @!p1 $0x0  }
0x14: {  	s2 =	sld [smem:$0x3F9C];
	s0 =	simm.s32 @p1 $0x1  }
0x15: {  	[smem:$0x3FB9] =	sst s0;
	s0 =	simm.s32 @!p2 $0x0  }
0x16: {  	s3 =	sld [smem:$0x3FDB];
	s0 =	simm.s32 @p2 $0x1  }
0x17: {  	s4 =	simm.s32 $0x1BF5;
	[smem:$0x3FBB] =	sst s0  }
0x18: {  	s0 =	sld [smem:$0x3F9E];
	_ =	swait.ge [sflag:s4], $0x0  }
0x19: {  	s7 =	sld [smem:$0x3F9F]  }
0x1a: {  	s8 =	sadd.s32 $0xFFFFE003, lr  }
0x1b: {  	s9 =	sadd.s32 $0xFFFFFEF7, lr;
	s5 =	simm.s32 $0xFFFFFFFF;
	p2 =	slt.u32 s8, $0xFFFFF086  }
0x1c: {  	p1 =	slt.u32 s9, $0xF7A;
	s5 =	simm.s32 @!p2 $0x0  }
0x1d: {  	s5 =	simm.s32 @p1 $0x1;
	p0 =	seq.s32 s7, s2  }
0x1e: {  	s7 =	smul.u32 @!p0 $0xF7A, s2;
	p2 =	seq.s32 @!p0 s5, $0x0  }
0x1f: {  	s9 =	smul.u32 $0xF7A, s1;
	s8 =	simm.s32 @!p0 $0x1BF5;
	p2 =	por !p2, p0  }
0x20: {  	[sflag:s8] =	ssyncset.s32 @!p0 $0xFFFFF086;
	s6 =	sadd.s32 @!p0 s3, s7;
	s7 =	simm.s32 @!p0 $0x108  }
0x21: {  	s3 =	sadd.s32 s3, s9;
	s6 =	sadd.s32 @!p0 $0x88, s6;
	s7 =	simm.s32 @p2 $0x1082  }
0x22: {  	[simem:s7], [sflag:s8] =	dma.local @!p0 [hbm:s6], $0xF7A  }
0x23: {  	s9 =	sor.u32 $0xD0000000, s2;
	s6 =	simm.s32 $0x108;
	_ =	swait.ge @!p0 [sflag:s8], $0x0  }
0x24: {  	s3 =	sadd.s32 $0x88, s3;
	s6 =	simm.s32 @!p1 $0x1082;
	[sflag:s4] =	ssyncset.s32 $0xFFFFF086  }
0x25: {  	[simem:s6], [sflag:s4] =	dma.local [hbm:s3], $0xF7A  }
0x26: {  	[smem:$0x3F9F] =	sst s1;
	(tag) =	ssettag s2;
	_ =	strace s9  }
0x27: {  	s1 =	sld [smem:$0x3FAF]  }
0x28: {  	s2 =	sld [smem:$0x3FB0]  }
0x29: {  	s4 =	sld [smem:$0x3FB2]  }
0x2a: {  	p0 =	seq.s32 s5, $0x0;
	s5 =	sld [smem:$0x3FB3]  }
0x2b: {  	s6 =	sld [smem:$0x3FB4]  }
0x2c: {  	s7 =	sld [smem:$0x3FB5]  }
0x2d: {  	s3 =	simm.s32 $0x108;
	s8 =	sld [smem:$0x3FB6]  }
0x2e: {  	s3 =	simm.s32 @!p0 $0x1082;
	s9 =	sld [smem:$0x3FB7]  }
0x2f: {  	lr =	sadd.s32 s0, s3;
	s0 =	sld [smem:$0x3FAE]  }
0x30: {  	s3 =	sld [smem:$0x3FB1]  }
0x31: {  	[smem:$0x3FBA] =	sst s10  }
0x32: {  	s10 =	sld [smem:$0x3FB8];
	_ =	sdelay $0x3  }
0x33: {  	p0 =	seq.s32 s10, $0x1;
	s10 =	sld [smem:$0x3FBA];
	_ =	sdelay $0x3  }
0x34: {  	[smem:$0x3FBA] =	sst s10  }
0x35: {  	s10 =	sld [smem:$0x3FB9];
	_ =	sdelay $0x3  }
0x36: {  	p1 =	seq.s32 s10, $0x1;
	s10 =	sld [smem:$0x3FBA];
	_ =	sdelay $0x3  }
0x37: {  	[smem:$0x3FBA] =	sst s10  }
0x38: {  	s10 =	sld [smem:$0x3FBB]  }
0x39: {  	_ = 	snop;
	(pc) =	sbr.ind lr, $3  }
0x3a: {  	_ = 	snop  }
0x3b: {  	_ = 	snop  }
0x3c: {  	p2 =	seq.s32 s10, $0x1;
	s10 =	sld [smem:$0x3FBA]  }
0x3d: {  	_ =	shalt  }
0x3e: {  	_ =	shalt  }
0x3f: {  	_ =	shalt  }
0x40: {  	_ =	shalt  }
0x41: {  	_ =	shalt  }
0x42: {  	_ =	shalt  }
0x43: {  	_ =	shalt  }
0x44: {  	_ =	shalt  }
0x45: {  	_ =	shalt  }
0x46: {  	_ =	shalt  }
0x47: {  	_ =	shalt  }
0x48: {  	_ =	shalt  }
0x49: {  	_ =	shalt  }
0x4a: {  	_ =	shalt  }
0x4b: {  	_ =	shalt  }
0x4c: {  	_ =	shalt  }
0x4d: {  	_ =	shalt  }
0x4e: {  	_ =	shalt  }
0x4f: {  	_ =	shalt  }
0x50: {  	_ =	shalt  }
0x51: {  	_ =	shalt  }
0x52: {  	_ =	shalt  }
0x53: {  	_ =	shalt  }
0x54: {  	_ =	shalt  }
0x55: {  	_ =	shalt  }
0x56: {  	_ =	shalt  }
0x57: {  	_ =	shalt  }
0x58: {  	_ =	shalt  }
0x59: {  	_ =	shalt  }
0x5a: {  	_ =	shalt  }
0x5b: {  	_ =	shalt  }
0x5c: {  	_ =	shalt  }
0x5d: {  	_ =	shalt  }
0x5e: {  	_ =	shalt  }
0x5f: {  	_ =	shalt  }
0x60: {  	_ =	shalt  }
0x61: {  	_ =	shalt  }
0x62: {  	_ =	shalt  }
0x63: {  	_ =	shalt  }
0x64: {  	_ =	shalt  }
0x65: {  	_ =	shalt  }
0x66: {  	_ =	shalt  }
0x67: {  	_ =	shalt  }
0x68: {  	_ =	shalt  }
0x69: {  	_ =	shalt  }
0x6a: {  	_ =	shalt  }
0x6b: {  	_ =	shalt  }
0x6c: {  	_ =	shalt  }
0x6d: {  	_ =	shalt  }
0x6e: {  	_ =	shalt  }
0x6f: {  	_ =	shalt  }
0x70: {  	_ =	shalt  }
0x71: {  	_ =	shalt  }
0x72: {  	_ =	shalt  }
0x73: {  	_ =	shalt  }
0x74: {  	_ =	shalt  }
0x75: {  	_ =	shalt  }
0x76: {  	_ =	shalt  }
0x77: {  	_ =	shalt  }
0x78: {  	_ =	shalt  }
0x79: {  	_ =	shalt  }
0x7a: {  	_ =	shalt  }
0x7b: {  	_ =	shalt  }
0x7c: {  	_ =	shalt  }
0x7d: {  	_ =	shalt  }
0x7e: {  	_ =	shalt  }
0x7f: {  	_ =	shalt  }
0x80: {  	_ =	shalt  }
0x81: {  	_ =	shalt  }
0x82: {  	_ =	shalt  }
0x83: {  	_ =	shalt  }
0x84: {  	_ =	shalt  }
0x85: {  	_ =	shalt  }
0x86: {  	_ =	shalt  }
0x87: {  	_ =	shalt  }
.Lfunc_end0:
.L_simem_size_0:
called_computation_lowered:
.L_overlay_start_0:
0x88: {  	s2 =	sld [smem:$0x3FD9]  }
0x89: {  	s3 =	sld [smem:$0x3FFE];
	_ =	sdelay $0x1  }
0x8a: {  	s1 =	srdreg.scid  }
0x8b: {  	s0 =	sand.u32 $0x1, s1  }
0x8c: {  	s18 =	sshll.u32 s0, $0xA;
	s2 =	sadd.s32 s3, s2  }
0x8d: {  	s2 =	sadd.s32 s2, s18  }
0x8e: {  	[smem:$0x3FC6] =	sst s2  }
0x8f: {  	_ = 	snop  }
0x90: {  	s2 =	sld [smem:$0x3FC9]  }
0x91: {  	s19 =	sld [smem:$0x3FC8]  }
0x92: {  	s4 =	sld [smem:$0x3FD0];
	(tm) =	ssettm $0x1  }
0x93: {  	s5 =	sld [smem:$0x3FFB];
	_ =	sdelay $0x3  }
0x94: {  	_ =	strace s5  }
0x95: {  	s5 =	sld [smem:$0x3FFC];
	_ =	sdelay $0x3  }
0x96: {  	_ =	strace s5  }
0x97: {  	s5 =	sld [smem:$0x3FFD];
	_ =	sdelay $0x3  }
0x98: {  	_ =	strace s5  }
0x99: {  	_ =	strace $0x8FFFFFFF  }
0x9a: {  	s20 =	sld [smem:$0x3FDB];
	_ =	sdelay $0x1  }
0x9b: {  	s6 =	simm.s32 $_scs_section_size  }
0x9c: {  	s7 =	simm.s32 $_size__tile_overlayer_lowered;
	s8 =	simm.s32 $_tile_overlayer_lowered  }
0x9d: {  	s23 =	simm.s32 $0x1BFF;
	s22 =	sshll.u32 s8, $0x1;
	s5 =	sadd.s32 s6, s20  }
0x9e: {  	s9 =	simm.s32 $0x0;
	s21 =	sshll.u32 s7, $0x1;
	s7 =	sadd.s32 s22, s5  }
0x9f: {  	[timem:s9], [sflag:s23] =	dma.local [hbm:s7], s21  }
0xa0: {  	_ =	swait.ge [sflag:s23], s21  }
0xa1: {  	s6 =	ssub.s32 $0x0, s21;
	[sflag:s23] =	ssyncset.done $0x0  }
0xa2: {  	[sflag:s23] =	ssyncadd.s32 s6;
	_ =	sdelay $0x1  }
0xa3: {  	s24 =	simm.s32 $0x1B8B  }
0xa4: {  	_ =	swait.ge [sflag:s24], $0x1  }
0xa5: {  	[sflag:s24] =	ssyncset.done $0x0  }
0xa6: {  	s25 =	simm.s32 $0x1B8E;
	[sflag:s24] =	ssyncadd.s32 $0xFFFFFFFF  }
0xa7: {  	s26 =	simm.s32 $execute0_lowered;
	[smem:$0x3FD2] =	sst s25  }
0xa8: {  	s6 =	sshll.u32 s26, $0x1;
	_ =	strace $0x80000046;
	[dreg:$0x1] =	wrdreg $0xFFFFFFFF  }
0xa9: {  	s28 =	simm.s32 $_size_execute0_lowered;
	s5 =	sadd.s32 s5, s6;
	[dreg:$0x0] =	wrdreg $0x0  }
0xaa: {  	s6 =	sshll.u32 s28, $0x1;
	[dreg:$0x2] =	wrdreg s5  }
0xab: {  	[dreg:$0x3] =	wrdreg s6  }
0xac: {  	[dreg:$0x4] =	wrdreg $0xC0  }
0xad: {  	_ =	task [dreg:s9], $0x5FFFF  }
0xae: {  	[dreg:$0x1] =	wrdreg $0xFFFFFFFF  }
0xaf: {  	[dreg:$0x0] =	wrdreg $0x60  }
0xb0: {  	[dreg:$0x2] =	wrdreg s2  }
0xb1: {  	[dreg:$0x3] =	wrdreg s19  }
0xb2: {  	[dreg:$0x4] =	wrdreg s4  }
0xb3: {  	[dreg:$0x5] =	wrdreg $0x9  }
0xb4: {  	_ =	task.clear_ibuf [dreg:s9], $0x6FFFF;
	_ =	strace $0x90000046  }
0xb5: {  	s29 =	simm.s32 $0x9;
	_ =	strace $0x80000048  }
0xb6: {  	_ =	swait.ge [sflag:s29], $0x1  }
0xb7: {  	[sflag:s29] =	ssyncadd.s32 $0xFFFFFFFF  }
0xb8: {  	_ =	strace $0x90000048  }
0xb9: {  	_ =	sfence  }
0xba: {  	s30 =	sld [smem:$0x0];
	_ =	sdelay $0x2  }
0xbb: {  	s31 =	sshll.u32 s1, $0xD;
	s1 =	sshrl.u32 s1, $0x2  }
0xbc: {  	s3 =	sand.u32 $0x4000, s31;
	s1 =	sadd.s32 s1, s30  }
0xbd: {  	s0 =	sor.u32 s3, s0;
	s1 =	sshll.u32 s1, $0x11  }
0xbe: {  	s0 =	sor.u32 s1, s0  }
0xbf: {  	s0 =	sadd.s32 $0x8F2B, s0  }
0xc0: {  	[sflag:s0] =	ssyncadd.remote.s32 $0x1  }
0xc1: {  	_ =	sfence.sel $0xFFFF  }
0xc2: {  	[dreg:$0x0] =	wrdreg $0xFFFFFFFF;
	(pc) =	sbr.abs _section_cstart, $3  }
0xc3: {  	[dreg:$0x1] =	wrdreg $0xFFFFFFFF  }
0xc4: {  	_ =	task.clear_ibuf [dreg:s9], $0x2FFFF;
	_ =	strace $0x9FFFFFFF  }
0xc5: {  	(tm) =	ssettm $0x7FFFFFFF  }
tec
execute0_lowered:
.L_overlay_start_1:
0x0: {  	(tag) =	ssettag $0x1  }
0x1: {  	s0 =	rddreg [dreg:$0x0]  }
0x2: {  	s1 =	rddreg [dreg:$0x1]  }
0x3: {  	s2 =	rddreg [dreg:$0x2]  }
0x4: {  	s3 =	simm.s32 $0x0;
	s4 =	srdreg.scid;
	s8 =	stileid.u32  }
0x5: {  	s24 =	simm.s32 $0xEA00;
	s25 =	simm.s32 $0xF200;
	s28 =	simm.s32 $0x4  }
0x6: {  	s30 =	simm.s32 $0xB;
	s31 =	simm.s32 $0x5;
	s29 =	simm.s32 $0xC200  }
0x7: {  	[smem:$0x7FF] =	sst s3;
	s4 =	sand.u32 $0x1, s4;
	s5 =	sshll.u32 s8, $0x1  }
0x8: {  	s7 =	sshrl.u32 s8, $0x2;
	s8 =	sand.u32 $0x3, s8;
	_ =	strace $0x80000047  }
0x9: {  	s6 =	ssub.s32 $0x2, s4;
	s5 =	sand.u32 $0x6, s5;
	s9 =	sshll.u32 s7, $0x16  }
0xa: {  	s8 =	sshll.u32 s8, $0x14;
	s7 =	sshll.u32 s7, $0x4;
	[dreg:$0xc] =	wrdreg s24  }
0xb: {  	[dreg:$0xd] =	wrdreg s25;
	s24 =	simm.s32 $0xC200;
	s25 =	simm.s32 $0x3  }
0xc: {  	s5 =	sor.u32 s4, s5;
	s8 =	sor.u32 s8, s9;
	s4 =	sshll.u32 s4, $0x13  }
0xd: {  	s26 =	sshrl.u32 s6, $0x1;
	s5 =	sshll.u32 s5, $0x8;
	s4 =	sor.u32 s4, s8  }
0xe: {  	s9 =	ssub.s32 s6, s26;
	s6 =	sadd.s32 $0x100, s1;
	s26 =	simm.s32 $0xFA00  }
0xf: {  	s5 =	sor.u32 s7, s5;
	s8 =	sor.u32 $0xE000, s4;
	s10 =	sor.u32 $0x2000, s4  }
0x10: {  	s12 =	sor.u32 $0x4000, s4;
	s14 =	sor.u32 $0x6000, s4;
	s15 =	sor.u32 $0x8000, s4  }
0x11: {  	s7 =	sadd.s32 $0x200, s1;
	s19 =	sshrl.u32 s4, $0x3;
	s20 =	sor.u32 $0xC000, s4  }
0x12: {  	s4 =	sor.u32 $0xA000, s4;
	s23 =	smax.u32 s9, $0x1;
	[dreg:$0xe] =	wrdreg s26  }
0x13: {  	s26 =	simm.s32 $0xA;
	s5 =	sadd.s32 s0, s5;
	s0 =	sshrl.u32 s8, $0x3  }
0x14: {  	s13 =	sshrl.u32 s12, $0x3;
	s17 =	sshrl.u32 s15, $0x3;
	s4 =	sshrl.u32 s4, $0x3  }
0x15: {  	s8 =	sadd.s32 $0x300, s1;
	[dreg:$0x11] =	wrdreg s23;
	s15 =	simm.s32 $0xA200  }
0x16: {  	s23 =	simm.s32 $0xE200;
	[dreg:$0xf] =	wrdreg s5;
	s5 =	sadd.s32 $0x40, s5  }
0x17: {  	s12 =	simm.s32 $0x6;
	s0 =	sadd.s32 s0, s2;
	[dreg:$0x10] =	wrdreg s5  }
0x18: {  	s18 =	sadd.s32 s17, s2;
	s22 =	sadd.s32 s4, s2;
	[dreg:$0x4] =	wrdreg s0  }
0x19: {  	s17 =	simm.s32 $0xE;
	s4 =	simm.s32 $0x10;
	[dreg:$0x8] =	wrdreg s18  }
0x1a: {  	s5 =	sshrl.u32 s10, $0x3;
	s0 =	sadd.s32 s13, s2;
	[dreg:$0xb] =	wrdreg s22  }
0x1b: {  	s22 =	simm.s32 $0x2;
	s13 =	simm.s32 $0xD;
	s18 =	simm.s32 $0x8  }
0x1c: {  	s10 =	simm.s32 $0x0;
	s11 =	sadd.s32 s5, s2;
	s5 =	sshrl.u32 s14, $0x3  }
0x1d: {  	[dreg:$0x6] =	wrdreg s0;
	s0 =	sadd.s32 s19, s2;
	s14 =	simm.s32 $0x7  }
0x1e: {  	s19 =	simm.s32 $0xF;
	[dreg:$0x5] =	wrdreg s11;
	s16 =	sadd.s32 s5, s2  }
0x1f: {  	s5 =	sshrl.u32 s20, $0x3;
	[dreg:$0x9] =	wrdreg s0;
	s20 =	simm.s32 $0x200  }
0x20: {  	v0 =	vlaneseq.u32;
	s11 =	simm.s32 $0x2200;
	s0 =	simm.s32 $0xC;
	[dreg:$0x7] =	wrdreg s16  }
0x21: {  	v1 =	vshrl.u32 v0, $0x3;
	s21 =	sadd.s32 s5, s2;
	s16 =	simm.s32 $0x4200;
	s2 =	simm.s32 $0x8200  }
0x22: {  	vm0 =	vmmov $0xffff;
	v0 =	vand.u32 $0x7, v0;
	v1 =	vmul.u32 $0x8, v1;
	s5 =	simm.s32 $0x9;
	[dreg:$0xa] =	wrdreg s21;
	s21 =	simm.s32 $0x6200  }
.LBB2_1:
0x23: {  	[dreg:$0x12] =	wrdreg s10  }
0x24: {  	s9 =	rddreg [dreg:$0xf];
	s10 =	simm.s32 $0x12  }
0x25: {  	[tilespmem:s3], [sflag:$0x12] =	stream.linear.gather [hbm4b:s9+s3], $0x80, $0x38;
	[tilespmem:$0x10200] =	vst v63  }
0x26: {  	_ =	swait.ge [sflag:s10], $0x80  }
0x27: {  	[sflag:s10] =	ssyncset.done $0x0  }
0x28: {  	s9 =	rddreg [dreg:$0x10];
	[sflag:s10] =	ssyncadd.s32 $0xFFFFFF80;
	s10 =	simm.s32 $0x80  }
0x29: {  	[tilespmem:s10], [sflag:$0x1] =	stream.strided.gather [hbm4b:s9+s10], $0x180, s20, s10, $0x38;
	[tilespmem:$0x10200] =	vst v63  }
0x2a: {  	v2 =	vld.msk [tilespmem:$0x0], $0xff;
	_ =	sdelay $0x4  }
0x2b: {  	v3 =	vshll.u32 v2, $0x3  }
0x2c: {  	v2 =	vand.u32 $0x7, v2;
	v3 =	vand.u32 $0xFFFFFFC0, v3  }
0x2d: {  	v2 =	vor.u32 v2, v3  }
0x2e: {  	v2 =	vperm.xlane v2, v0;
	_ =	sdelay $0x1  }
0x2f: {  	v2 =	vadd.s32 v1, v2;
	_ =	sdelay $0x4  }
0x30: {  	[tilespmem:s20], [sflag:$0x2] =	stream.indirect_vreg.gather [hbm4b:s1+s3], $0x80, v2, vm0, $0xb8;
	[tilespmem:$0x10200] =	vst v63  }
0x31: {  	s10 =	simm.s32 $0xA00  }
0x32: {  	[tilespmem:s10], [sflag:$0x2] =	stream.indirect_vreg.gather [hbm4b:s6+s3], $0x80, v2, vm0, $0xb8;
	[tilespmem:$0x10200] =	vst v63  }
0x33: {  	s10 =	simm.s32 $0x1200  }
0x34: {  	[tilespmem:s10], [sflag:$0x2] =	stream.indirect_vreg.gather [hbm4b:s7+s3], $0x80, v2, vm0, $0xb8;
	[tilespmem:$0x10200] =	vst v63  }
0x35: {  	s10 =	simm.s32 $0x1A00  }
0x36: {  	[tilespmem:s10], [sflag:$0x2] =	stream.indirect_vreg.gather [hbm4b:s8+s3], $0x80, v2, vm0, $0xb8;
	[tilespmem:$0x10200] =	vst v63  }
0x37: {  	v2 =	vld.msk [tilespmem:$0x8], $0xff;
	_ =	sdelay $0x4  }
0x38: {  	v3 =	vshll.u32 v2, $0x3  }
0x39: {  	v2 =	vand.u32 $0x7, v2;
	v3 =	vand.u32 $0xFFFFFFC0, v3  }
0x3a: {  	v2 =	vor.u32 v2, v3  }
0x3b: {  	v2 =	vperm.xlane v2, v0;
	_ =	sdelay $0x1  }
0x3c: {  	v2 =	vadd.s32 v1, v2;
	_ =	sdelay $0x4  }
0x3d: {  	[tilespmem:s11], [sflag:$0x3] =	stream.indirect_vreg.gather [hbm4b:s1+s3], $0x80, v2, vm0, $0xb8;
	[tilespmem:$0x10200] =	vst v63  }
0x3e: {  	s11 =	simm.s32 $0x2A00  }
0x3f: {  	[tilespmem:s11], [sflag:$0x3] =	stream.indirect_vreg.gather [hbm4b:s6+s3], $0x80, v2, vm0, $0xb8;
	[tilespmem:$0x10200] =	vst v63  }
0x40: {  	s10 =	simm.s32 $0x3200  }
0x41: {  	[tilespmem:s10], [sflag:$0x3] =	stream.indirect_vreg.gather [hbm4b:s7+s3], $0x80, v2, vm0, $0xb8;
	[tilespmem:$0x10200] =	vst v63  }
0x42: {  	s11 =	simm.s32 $0x3A00  }
0x43: {  	[tilespmem:s11], [sflag:$0x3] =	stream.indirect_vreg.gather [hbm4b:s8+s3], $0x80, v2, vm0, $0xb8;
	[tilespmem:$0x10200] =	vst v63  }
0x44: {  	v2 =	vld.msk [tilespmem:$0x10], $0xff;
	_ =	sdelay $0x4  }
0x45: {  	v3 =	vshll.u32 v2, $0x3  }
0x46: {  	v2 =	vand.u32 $0x7, v2;
	v3 =	vand.u32 $0xFFFFFFC0, v3  }
0x47: {  	v2 =	vor.u32 v2, v3  }
0x48: {  	v2 =	vperm.xlane v2, v0;
	_ =	sdelay $0x1  }
0x49: {  	v2 =	vadd.s32 v1, v2;
	_ =	sdelay $0x4  }
0x4a: {  	[tilespmem:s16], [sflag:$0x4] =	stream.indirect_vreg.gather [hbm4b:s1+s3], $0x80, v2, vm0, $0xb8;
	[tilespmem:$0x10200] =	vst v63  }
0x4b: {  	s16 =	simm.s32 $0x4A00  }
0x4c: {  	[tilespmem:s16], [sflag:$0x4] =	stream.indirect_vreg.gather [hbm4b:s6+s3], $0x80, v2, vm0, $0xb8;
	[tilespmem:$0x10200] =	vst v63  }
0x4d: {  	s10 =	simm.s32 $0x5200  }
0x4e: {  	[tilespmem:s10], [sflag:$0x4] =	stream.indirect_vreg.gather [hbm4b:s7+s3], $0x80, v2, vm0, $0xb8;
	[tilespmem:$0x10200] =	vst v63  }
0x4f: {  	s11 =	simm.s32 $0x5A00  }
0x50: {  	[tilespmem:s11], [sflag:$0x4] =	stream.indirect_vreg.gather [hbm4b:s8+s3], $0x80, v2, vm0, $0xb8;
	[tilespmem:$0x10200] =	vst v63  }
0x51: {  	v2 =	vld.msk [tilespmem:$0x18], $0xff;
	_ =	sdelay $0x4  }
0x52: {  	v3 =	vshll.u32 v2, $0x3  }
0x53: {  	v2 =	vand.u32 $0x7, v2;
	v3 =	vand.u32 $0xFFFFFFC0, v3  }
0x54: {  	v2 =	vor.u32 v2, v3  }
0x55: {  	v2 =	vperm.xlane v2, v0;
	_ =	sdelay $0x1  }
0x56: {  	v2 =	vadd.s32 v1, v2;
	_ =	sdelay $0x4  }
0x57: {  	[tilespmem:s21], [sflag:$0x5] =	stream.indirect_vreg.gather [hbm4b:s1+s3], $0x80, v2, vm0, $0xb8;
	[tilespmem:$0x10200] =	vst v63  }
0x58: {  	s16 =	simm.s32 $0x6A00  }
0x59: {  	[tilespmem:s16], [sflag:$0x5] =	stream.indirect_vreg.gather [hbm4b:s6+s3], $0x80, v2, vm0, $0xb8;
	[tilespmem:$0x10200] =	vst v63  }
0x5a: {  	s21 =	simm.s32 $0x7200  }
0x5b: {  	[tilespmem:s21], [sflag:$0x5] =	stream.indirect_vreg.gather [hbm4b:s7+s3], $0x80, v2, vm0, $0xb8;
	[tilespmem:$0x10200] =	vst v63  }
0x5c: {  	s10 =	simm.s32 $0x7A00  }
0x5d: {  	[tilespmem:s10], [sflag:$0x5] =	stream.indirect_vreg.gather [hbm4b:s8+s3], $0x80, v2, vm0, $0xb8;
	[tilespmem:$0x10200] =	vst v63  }
0x5e: {  	v2 =	vld.msk [tilespmem:$0x20], $0xff;
	_ =	sdelay $0x4  }
0x5f: {  	v3 =	vshll.u32 v2, $0x3  }
0x60: {  	v2 =	vand.u32 $0x7, v2;
	v3 =	vand.u32 $0xFFFFFFC0, v3  }
0x61: {  	v2 =	vor.u32 v2, v3  }
0x62: {  	v2 =	vperm.xlane v2, v0;
	_ =	sdelay $0x1  }
0x63: {  	v2 =	vadd.s32 v1, v2;
	_ =	sdelay $0x4  }
0x64: {  	[tilespmem:s2], [sflag:$0x6] =	stream.indirect_vreg.gather [hbm4b:s1+s3], $0x80, v2, vm0, $0xb8;
	[tilespmem:$0x10200] =	vst v63  }
0x65: {  	s11 =	simm.s32 $0x8A00  }
0x66: {  	[tilespmem:s11], [sflag:$0x6] =	stream.indirect_vreg.gather [hbm4b:s6+s3], $0x80, v2, vm0, $0xb8;
	[tilespmem:$0x10200] =	vst v63  }
0x67: {  	s16 =	simm.s32 $0x9200  }
0x68: {  	[tilespmem:s16], [sflag:$0x6] =	stream.indirect_vreg.gather [hbm4b:s7+s3], $0x80, v2, vm0, $0xb8;
	[tilespmem:$0x10200] =	vst v63  }
0x69: {  	s21 =	simm.s32 $0x9A00  }
0x6a: {  	[tilespmem:s21], [sflag:$0x6] =	stream.indirect_vreg.gather [hbm4b:s8+s3], $0x80, v2, vm0, $0xb8;
	[tilespmem:$0x10200] =	vst v63  }
0x6b: {  	v2 =	vld.msk [tilespmem:$0x28], $0xff;
	_ =	sdelay $0x4  }
0x6c: {  	v3 =	vshll.u32 v2, $0x3  }
0x6d: {  	v2 =	vand.u32 $0x7, v2;
	v3 =	vand.u32 $0xFFFFFFC0, v3  }
0x6e: {  	v2 =	vor.u32 v2, v3  }
0x6f: {  	v2 =	vperm.xlane v2, v0;
	_ =	sdelay $0x1  }
0x70: {  	v2 =	vadd.s32 v1, v2;
	_ =	sdelay $0x4  }
0x71: {  	[tilespmem:s15], [sflag:$0x7] =	stream.indirect_vreg.gather [hbm4b:s1+s3], $0x80, v2, vm0, $0xb8;
	[tilespmem:$0x10200] =	vst v63  }
0x72: {  	s9 =	simm.s32 $0xAA00  }
0x73: {  	[tilespmem:s9], [sflag:$0x7] =	stream.indirect_vreg.gather [hbm4b:s6+s3], $0x80, v2, vm0, $0xb8;
	[tilespmem:$0x10200] =	vst v63  }
0x74: {  	s10 =	simm.s32 $0xB200  }
0x75: {  	[tilespmem:s10], [sflag:$0x7] =	stream.indirect_vreg.gather [hbm4b:s7+s3], $0x80, v2, vm0, $0xb8;
	[tilespmem:$0x10200] =	vst v63  }
0x76: {  	s11 =	simm.s32 $0xBA00  }
0x77: {  	[tilespmem:s11], [sflag:$0x7] =	stream.indirect_vreg.gather [hbm4b:s8+s3], $0x80, v2, vm0, $0xb8;
	[tilespmem:$0x10200] =	vst v63  }
0x78: {  	v2 =	vld.msk [tilespmem:$0x30], $0xff;
	_ =	sdelay $0x4  }
0x79: {  	v3 =	vshll.u32 v2, $0x3  }
0x7a: {  	v2 =	vand.u32 $0x7, v2;
	v3 =	vand.u32 $0xFFFFFFC0, v3  }
0x7b: {  	v2 =	vor.u32 v2, v3  }
0x7c: {  	v2 =	vperm.xlane v2, v0;
	_ =	sdelay $0x1  }
0x7d: {  	v2 =	vadd.s32 v1, v2;
	_ =	sdelay $0x4  }
0x7e: {  	[tilespmem:s24], [sflag:$0x8] =	stream.indirect_vreg.gather [hbm4b:s1+s3], $0x80, v2, vm0, $0xb8;
	[tilespmem:$0x10200] =	vst v63  }
0x7f: {  	s15 =	simm.s32 $0xCA00  }
0x80: {  	[tilespmem:s15], [sflag:$0x8] =	stream.indirect_vreg.gather [hbm4b:s6+s3], $0x80, v2, vm0, $0xb8;
	[tilespmem:$0x10200] =	vst v63  }
0x81: {  	s16 =	simm.s32 $0xD200  }
0x82: {  	[tilespmem:s16], [sflag:$0x8] =	stream.indirect_vreg.gather [hbm4b:s7+s3], $0x80, v2, vm0, $0xb8;
	[tilespmem:$0x10200] =	vst v63  }
0x83: {  	s21 =	simm.s32 $0xDA00;
	s24 =	simm.s32 $0x1  }
0x84: {  	[tilespmem:s21], [sflag:$0x8] =	stream.indirect_vreg.gather [hbm4b:s8+s3], $0x80, v2, vm0, $0xb8;
	[tilespmem:$0x10200] =	vst v63  }
0x85: {  	s2 =	simm.s32 $0x8200;
	s9 =	simm.s32 $0x0;
	_ =	swait.ge [sflag:s24], $0x180  }
0x86: {  	s11 =	simm.s32 $0x2200;
	s15 =	simm.s32 $0xA200;
	[sflag:s24] =	ssyncset.done $0x0  }
0x87: {  	s21 =	simm.s32 $0x70;
	[sflag:s24] =	ssyncadd.s32 $0xFFFFFE80;
	s24 =	simm.s32 $0x4200  }
.LBB2_2:
0x88: {  	_ =	swait.ge [sflag:s22], $0x2000  }
0x89: {  	p0 =	seq.s32 s9, $0x0;
	[sflag:s22] =	ssyncset.done $0x0  }
0x8a: {  	s10 =	simm.s32 @!p0 $0x11;
	[sflag:s22] =	ssyncadd.s32 $0xFFFFE000  }
0x8b: {  	_ =	swait.ge @!p0 [sflag:s10], $0x2000  }
0x8c: {  	[sflag:s10] =	ssyncset.done @!p0 $0x0  }
0x8d: {  	[sflag:s10] =	ssyncadd.s32 @!p0 $0xFFFFE000  }
0x8e: {  	v2 =	vld.msk [tilespmem:s21+$0xFFFFFFC8], $0xff;
	_ =	sdelay $0x4  }
0x8f: {  	v3 =	vshll.u32 v2, $0x3  }
0x90: {  	v2 =	vand.u32 $0x7, v2;
	v3 =	vand.u32 $0xFFFFFFC0, v3  }
0x91: {  	v2 =	vor.u32 v2, v3  }
0x92: {  	v2 =	vperm.xlane v2, v0;
	_ =	sdelay $0x1  }
0x93: {  	v2 =	vadd.s32 v1, v2;
	_ =	sdelay $0x3  }
0x94: {  	s16 =	rddreg [dreg:$0xd]  }
0x95: {  	[tilespmem:s23], [sflag:$0x9] =	stream.indirect_vreg.gather [hbm4b:s1+s3], $0x80, v2, vm0, $0xb8;
	[tilespmem:$0x10200] =	vst v63  }
0x96: {  	s10 =	rddreg [dreg:$0xc]  }
0x97: {  	[tilespmem:s10], [sflag:$0x9] =	stream.indirect_vreg.gather [hbm4b:s6+s3], $0x80, v2, vm0, $0xb8;
	[tilespmem:$0x10200] =	vst v63  }
0x98: {  	s10 =	rddreg [dreg:$0xe]  }
0x99: {  	[tilespmem:s16], [sflag:$0x9] =	stream.indirect_vreg.gather [hbm4b:s7+s3], $0x80, v2, vm0, $0xb8;
	[tilespmem:$0x10200] =	vst v63  }
0x9a: {  	s16 =	rddreg [dreg:$0x9]  }
0x9b: {  	[tilespmem:s10], [sflag:$0x9] =	stream.indirect_vreg.gather [hbm4b:s8+s3], $0x80, v2, vm0, $0xb8;
	[tilespmem:$0x10200] =	vst v63  }
0x9c: {  	s16 =	sadd.s32 s9, s16  }
0x9d: {  	[hbm4b:s16+s3] =	stream.linear.scatter [tilespmem:s20], [sflag:$0xA], $0x2000, $0x38;
	[tilespmem:$0x10200] =	vst v63  }
0x9e: {  	_ =	swait.ge [sflag:s25], $0x2000  }
0x9f: {  	[sflag:s25] =	ssyncset.done $0x0  }
0xa0: {  	[sflag:s25] =	ssyncadd.s32 $0xFFFFE000  }
0xa1: {  	_ =	swait.ge [sflag:s26], $0x2000  }
0xa2: {  	[sflag:s26] =	ssyncset.done $0x0  }
0xa3: {  	p0 =	seq.s32 s9, $0xE000;
	[sflag:s26] =	ssyncadd.s32 $0xFFFFE000  }
0xa4: {  	v2 =	vld.msk @!p0 [tilespmem:s21+$0xFFFFFFD0], $0xff;
	_ =	sdelay $0x4  }
0xa5: {  	v3 =	vshll.u32 @!p0 v2, $0x3  }
0xa6: {  	v4 =	vlaneseq.u32 @!p0;
	v2 =	vand.u32 @!p0 $0x7, v2;
	v3 =	vand.u32 @!p0 $0xFFFFFFC0, v3  }
0xa7: {  	v3 =	vor.u32 @!p0 v2, v3;
	v2 =	vand.u32 @!p0 $0x7, v4;
	v4 =	vshrl.u32 @!p0 v4, $0x3  }
0xa8: {  	v5 =	vperm.xlane @!p0 v3, v2;
	v3 =	vmul.u32 @!p0 $0x8, v4;
	_ =	sdelay $0x1  }
0xa9: {  	v4 =	vadd.s32 @!p0 v3, v5;
	_ =	sdelay $0x3  }
0xaa: {  	vm1 =	vmmov @!p0 $0xffff;
	s10 =	simm.s32 @!p0 $0x0;
	s16 =	simm.s32 @!p0 $0x200  }
0xab: {  	[tilespmem:s16], [sflag:$0x2] =	stream.indirect_vreg.gather @!p0 [hbm4b:s1+s10], $0x80, v4, vm1, $0xb8;
	[tilespmem:$0x10200] =	vst v63  }
0xac: {  	s16 =	simm.s32 @!p0 $0xA00  }
0xad: {  	[tilespmem:s16], [sflag:$0x2] =	stream.indirect_vreg.gather @!p0 [hbm4b:s6+s10], $0x80, v4, vm1, $0xb8;
	[tilespmem:$0x10200] =	vst v63  }
0xae: {  	s16 =	simm.s32 @!p0 $0x1200  }
0xaf: {  	[tilespmem:s16], [sflag:$0x2] =	stream.indirect_vreg.gather @!p0 [hbm4b:s7+s10], $0x80, v4, vm1, $0xb8;
	[tilespmem:$0x10200] =	vst v63  }
0xb0: {  	s20 =	simm.s32 @!p0 $0x1A00;
	s16 =	rddreg [dreg:$0x5]  }
0xb1: {  	[tilespmem:s20], [sflag:$0x2] =	stream.indirect_vreg.gather @!p0 [hbm4b:s8+s10], $0x80, v4, vm1, $0xb8;
	[tilespmem:$0x10200] =	vst v63  }
0xb2: {  	s16 =	sadd.s32 s9, s16  }
0xb3: {  	[hbm4b:s16+s3] =	stream.linear.scatter [tilespmem:s11], [sflag:$0xB], $0x2000, $0x38;
	[tilespmem:$0x10200] =	vst v63  }
0xb4: {  	_ =	swait.ge [sflag:s28], $0x2000  }
0xb5: {  	[sflag:s28] =	ssyncset.done $0x0  }
0xb6: {  	[sflag:s28] =	ssyncadd.s32 $0xFFFFE000  }
0xb7: {  	_ =	swait.ge [sflag:s30], $0x2000  }
0xb8: {  	[sflag:s30] =	ssyncset.done $0x0  }
0xb9: {  	[sflag:s30] =	ssyncadd.s32 $0xFFFFE000  }
0xba: {  	v4 =	vld.msk @!p0 [tilespmem:s21+$0xFFFFFFD8], $0xff;
	_ =	sdelay $0x4  }
0xbb: {  	v5 =	vshll.u32 @!p0 v4, $0x3  }
0xbc: {  	v4 =	vand.u32 @!p0 $0x7, v4;
	v5 =	vand.u32 @!p0 $0xFFFFFFC0, v5  }
0xbd: {  	v4 =	vor.u32 @!p0 v4, v5  }
0xbe: {  	v4 =	vperm.xlane @!p0 v4, v2;
	_ =	sdelay $0x1  }
0xbf: {  	v4 =	vadd.s32 @!p0 v3, v4;
	_ =	sdelay $0x3  }
0xc0: {  	s16 =	simm.s32 @!p0 $0x2200  }
0xc1: {  	[tilespmem:s16], [sflag:$0x3] =	stream.indirect_vreg.gather @!p0 [hbm4b:s1+s10], $0x80, v4, vm1, $0xb8;
	[tilespmem:$0x10200] =	vst v63  }
0xc2: {  	s16 =	simm.s32 @!p0 $0x2A00  }
0xc3: {  	[tilespmem:s16], [sflag:$0x3] =	stream.indirect_vreg.gather @!p0 [hbm4b:s6+s10], $0x80, v4, vm1, $0xb8;
	[tilespmem:$0x10200] =	vst v63  }
0xc4: {  	s16 =	simm.s32 @!p0 $0x3200  }
0xc5: {  	[tilespmem:s16], [sflag:$0x3] =	stream.indirect_vreg.gather @!p0 [hbm4b:s7+s10], $0x80, v4, vm1, $0xb8;
	[tilespmem:$0x10200] =	vst v63  }
0xc6: {  	s20 =	simm.s32 @!p0 $0x3A00;
	s16 =	rddreg [dreg:$0x6]  }
0xc7: {  	[tilespmem:s20], [sflag:$0x3] =	stream.indirect_vreg.gather @!p0 [hbm4b:s8+s10], $0x80, v4, vm1, $0xb8;
	[tilespmem:$0x10200] =	vst v63  }
0xc8: {  	s16 =	sadd.s32 s9, s16  }
0xc9: {  	[hbm4b:s16+s3] =	stream.linear.scatter [tilespmem:s24], [sflag:$0xC], $0x2000, $0x38;
	[tilespmem:$0x10200] =	vst v63  }
0xca: {  	_ =	swait.ge [sflag:s31], $0x2000  }
0xcb: {  	[sflag:s31] =	ssyncset.done $0x0  }
0xcc: {  	[sflag:s31] =	ssyncadd.s32 $0xFFFFE000  }
0xcd: {  	_ =	swait.ge [sflag:s0], $0x2000  }
0xce: {  	[sflag:s0] =	ssyncset.done $0x0  }
0xcf: {  	[sflag:s0] =	ssyncadd.s32 $0xFFFFE000  }
0xd0: {  	v4 =	vld.msk @!p0 [tilespmem:s21+$0xFFFFFFE0], $0xff;
	_ =	sdelay $0x4  }
0xd1: {  	v5 =	vshll.u32 @!p0 v4, $0x3  }
0xd2: {  	v4 =	vand.u32 @!p0 $0x7, v4;
	v5 =	vand.u32 @!p0 $0xFFFFFFC0, v5  }
0xd3: {  	v4 =	vor.u32 @!p0 v4, v5  }
0xd4: {  	v4 =	vperm.xlane @!p0 v4, v2;
	_ =	sdelay $0x1  }
0xd5: {  	v4 =	vadd.s32 @!p0 v3, v4;
	_ =	sdelay $0x3  }
0xd6: {  	s16 =	simm.s32 @!p0 $0x4200  }
0xd7: {  	[tilespmem:s16], [sflag:$0x4] =	stream.indirect_vreg.gather @!p0 [hbm4b:s1+s10], $0x80, v4, vm1, $0xb8;
	[tilespmem:$0x10200] =	vst v63  }
0xd8: {  	s16 =	simm.s32 @!p0 $0x4A00  }
0xd9: {  	[tilespmem:s16], [sflag:$0x4] =	stream.indirect_vreg.gather @!p0 [hbm4b:s6+s10], $0x80, v4, vm1, $0xb8;
	[tilespmem:$0x10200] =	vst v63  }
0xda: {  	s16 =	simm.s32 @!p0 $0x5200  }
0xdb: {  	[tilespmem:s16], [sflag:$0x4] =	stream.indirect_vreg.gather @!p0 [hbm4b:s7+s10], $0x80, v4, vm1, $0xb8;
	[tilespmem:$0x10200] =	vst v63  }
0xdc: {  	s20 =	simm.s32 @!p0 $0x5A00;
	s16 =	rddreg [dreg:$0x7]  }
0xdd: {  	[tilespmem:s20], [sflag:$0x4] =	stream.indirect_vreg.gather @!p0 [hbm4b:s8+s10], $0x80, v4, vm1, $0xb8;
	[tilespmem:$0x10200] =	vst v63  }
0xde: {  	s16 =	sadd.s32 s9, s16;
	s20 =	simm.s32 $0x6200  }
0xdf: {  	[hbm4b:s16+s3] =	stream.linear.scatter [tilespmem:s20], [sflag:$0xD], $0x2000, $0x38;
	[tilespmem:$0x10200] =	vst v63  }
0xe0: {  	_ =	swait.ge [sflag:s12], $0x2000  }
0xe1: {  	[sflag:s12] =	ssyncset.done $0x0  }
0xe2: {  	[sflag:s12] =	ssyncadd.s32 $0xFFFFE000  }
0xe3: {  	_ =	swait.ge [sflag:s13], $0x2000  }
0xe4: {  	[sflag:s13] =	ssyncset.done $0x0  }
0xe5: {  	[sflag:s13] =	ssyncadd.s32 $0xFFFFE000  }
0xe6: {  	v4 =	vld.msk @!p0 [tilespmem:s21+$0xFFFFFFE8], $0xff;
	_ =	sdelay $0x4  }
0xe7: {  	v5 =	vshll.u32 @!p0 v4, $0x3  }
0xe8: {  	v4 =	vand.u32 @!p0 $0x7, v4;
	v5 =	vand.u32 @!p0 $0xFFFFFFC0, v5  }
0xe9: {  	v4 =	vor.u32 @!p0 v4, v5  }
0xea: {  	v4 =	vperm.xlane @!p0 v4, v2;
	_ =	sdelay $0x1  }
0xeb: {  	v4 =	vadd.s32 @!p0 v3, v4;
	_ =	sdelay $0x3  }
0xec: {  	s16 =	simm.s32 @!p0 $0x6200  }
0xed: {  	[tilespmem:s16], [sflag:$0x5] =	stream.indirect_vreg.gather @!p0 [hbm4b:s1+s10], $0x80, v4, vm1, $0xb8;
	[tilespmem:$0x10200] =	vst v63  }
0xee: {  	s16 =	simm.s32 @!p0 $0x6A00  }
0xef: {  	[tilespmem:s16], [sflag:$0x5] =	stream.indirect_vreg.gather @!p0 [hbm4b:s6+s10], $0x80, v4, vm1, $0xb8;
	[tilespmem:$0x10200] =	vst v63  }
0xf0: {  	s16 =	simm.s32 @!p0 $0x7200  }
0xf1: {  	[tilespmem:s16], [sflag:$0x5] =	stream.indirect_vreg.gather @!p0 [hbm4b:s7+s10], $0x80, v4, vm1, $0xb8;
	[tilespmem:$0x10200] =	vst v63  }
0xf2: {  	s20 =	simm.s32 @!p0 $0x7A00;
	s16 =	rddreg [dreg:$0x8]  }
0xf3: {  	[tilespmem:s20], [sflag:$0x5] =	stream.indirect_vreg.gather @!p0 [hbm4b:s8+s10], $0x80, v4, vm1, $0xb8;
	[tilespmem:$0x10200] =	vst v63  }
0xf4: {  	s16 =	sadd.s32 s9, s16  }
0xf5: {  	[hbm4b:s16+s3] =	stream.linear.scatter [tilespmem:s2], [sflag:$0xE], $0x2000, $0x38;
	[tilespmem:$0x10200] =	vst v63  }
0xf6: {  	_ =	swait.ge [sflag:s14], $0x2000  }
0xf7: {  	[sflag:s14] =	ssyncset.done $0x0  }
0xf8: {  	[sflag:s14] =	ssyncadd.s32 $0xFFFFE000  }
0xf9: {  	_ =	swait.ge [sflag:s17], $0x2000  }
0xfa: {  	[sflag:s17] =	ssyncset.done $0x0  }
0xfb: {  	[sflag:s17] =	ssyncadd.s32 $0xFFFFE000  }
0xfc: {  	v4 =	vld.msk @!p0 [tilespmem:s21+$0xFFFFFFF0], $0xff;
	_ =	sdelay $0x4  }
0xfd: {  	v5 =	vshll.u32 @!p0 v4, $0x3  }
0xfe: {  	v4 =	vand.u32 @!p0 $0x7, v4;
	v5 =	vand.u32 @!p0 $0xFFFFFFC0, v5  }
0xff: {  	v4 =	vor.u32 @!p0 v4, v5  }
0x100: {  	v4 =	vperm.xlane @!p0 v4, v2;
	_ =	sdelay $0x1  }
0x101: {  	v4 =	vadd.s32 @!p0 v3, v4;
	_ =	sdelay $0x3  }
0x102: {  	s16 =	simm.s32 @!p0 $0x8200  }
0x103: {  	[tilespmem:s16], [sflag:$0x6] =	stream.indirect_vreg.gather @!p0 [hbm4b:s1+s10], $0x80, v4, vm1, $0xb8;
	[tilespmem:$0x10200] =	vst v63  }
0x104: {  	s16 =	simm.s32 @!p0 $0x8A00  }
0x105: {  	[tilespmem:s16], [sflag:$0x6] =	stream.indirect_vreg.gather @!p0 [hbm4b:s6+s10], $0x80, v4, vm1, $0xb8;
	[tilespmem:$0x10200] =	vst v63  }
0x106: {  	s16 =	simm.s32 @!p0 $0x9200  }
0x107: {  	[tilespmem:s16], [sflag:$0x6] =	stream.indirect_vreg.gather @!p0 [hbm4b:s7+s10], $0x80, v4, vm1, $0xb8;
	[tilespmem:$0x10200] =	vst v63  }
0x108: {  	s20 =	simm.s32 @!p0 $0x9A00;
	s16 =	rddreg [dreg:$0xb]  }
0x109: {  	[tilespmem:s20], [sflag:$0x6] =	stream.indirect_vreg.gather @!p0 [hbm4b:s8+s10], $0x80, v4, vm1, $0xb8;
	[tilespmem:$0x10200] =	vst v63  }
0x10a: {  	s16 =	sadd.s32 s9, s16  }
0x10b: {  	[hbm4b:s16+s3] =	stream.linear.scatter [tilespmem:s15], [sflag:$0xF], $0x2000, $0x38;
	[tilespmem:$0x10200] =	vst v63  }
0x10c: {  	_ =	swait.ge [sflag:s18], $0x2000  }
0x10d: {  	[sflag:s18] =	ssyncset.done $0x0  }
0x10e: {  	[sflag:s18] =	ssyncadd.s32 $0xFFFFE000  }
0x10f: {  	_ =	swait.ge [sflag:s19], $0x2000  }
0x110: {  	[sflag:s19] =	ssyncset.done $0x0  }
0x111: {  	[sflag:s19] =	ssyncadd.s32 $0xFFFFE000  }
0x112: {  	v4 =	vld.msk @!p0 [tilespmem:s21+$0xFFFFFFF8], $0xff;
	_ =	sdelay $0x4  }
0x113: {  	v5 =	vshll.u32 @!p0 v4, $0x3  }
0x114: {  	v4 =	vand.u32 @!p0 $0x7, v4;
	v5 =	vand.u32 @!p0 $0xFFFFFFC0, v5  }
0x115: {  	v4 =	vor.u32 @!p0 v4, v5  }
0x116: {  	v4 =	vperm.xlane @!p0 v4, v2;
	_ =	sdelay $0x1  }
0x117: {  	v4 =	vadd.s32 @!p0 v3, v4;
	_ =	sdelay $0x3  }
0x118: {  	s16 =	simm.s32 @!p0 $0xA200  }
0x119: {  	[tilespmem:s16], [sflag:$0x7] =	stream.indirect_vreg.gather @!p0 [hbm4b:s1+s10], $0x80, v4, vm1, $0xb8;
	[tilespmem:$0x10200] =	vst v63  }
0x11a: {  	s16 =	simm.s32 @!p0 $0xAA00  }
0x11b: {  	[tilespmem:s16], [sflag:$0x7] =	stream.indirect_vreg.gather @!p0 [hbm4b:s6+s10], $0x80, v4, vm1, $0xb8;
	[tilespmem:$0x10200] =	vst v63  }
0x11c: {  	s16 =	simm.s32 @!p0 $0xB200  }
0x11d: {  	[tilespmem:s16], [sflag:$0x7] =	stream.indirect_vreg.gather @!p0 [hbm4b:s7+s10], $0x80, v4, vm1, $0xb8;
	[tilespmem:$0x10200] =	vst v63  }
0x11e: {  	s20 =	simm.s32 @!p0 $0xBA00;
	s16 =	rddreg [dreg:$0xa]  }
0x11f: {  	[tilespmem:s20], [sflag:$0x7] =	stream.indirect_vreg.gather @!p0 [hbm4b:s8+s10], $0x80, v4, vm1, $0xb8;
	[tilespmem:$0x10200] =	vst v63  }
0x120: {  	s16 =	sadd.s32 s9, s16  }
0x121: {  	[hbm4b:s16+s3] =	stream.linear.scatter [tilespmem:s29], [sflag:$0x10], $0x2000, $0x38;
	[tilespmem:$0x10200] =	vst v63  }
0x122: {  	_ =	swait.ge [sflag:s5], $0x2000  }
0x123: {  	[sflag:s5] =	ssyncset.done $0x0  }
0x124: {  	[sflag:s5] =	ssyncadd.s32 $0xFFFFE000  }
0x125: {  	_ =	swait.ge [sflag:s4], $0x2000  }
0x126: {  	[sflag:s4] =	ssyncset.done $0x0  }
0x127: {  	[sflag:s4] =	ssyncadd.s32 $0xFFFFE000  }
0x128: {  	v4 =	vld.msk @!p0 [tilespmem:s21+$0x0], $0xff;
	_ =	sdelay $0x4  }
0x129: {  	v5 =	vshll.u32 @!p0 v4, $0x3  }
0x12a: {  	v4 =	vand.u32 @!p0 $0x7, v4;
	v5 =	vand.u32 @!p0 $0xFFFFFFC0, v5  }
0x12b: {  	v4 =	vor.u32 @!p0 v4, v5  }
0x12c: {  	v2 =	vperm.xlane @!p0 v4, v2;
	_ =	sdelay $0x1  }
0x12d: {  	v2 =	vadd.s32 @!p0 v3, v2;
	_ =	sdelay $0x3  }
0x12e: {  	s16 =	simm.s32 @!p0 $0xC200  }
0x12f: {  	[tilespmem:s16], [sflag:$0x8] =	stream.indirect_vreg.gather @!p0 [hbm4b:s1+s10], $0x80, v2, vm1, $0xb8;
	[tilespmem:$0x10200] =	vst v63  }
0x130: {  	s16 =	simm.s32 @!p0 $0xCA00  }
0x131: {  	[tilespmem:s16], [sflag:$0x8] =	stream.indirect_vreg.gather @!p0 [hbm4b:s6+s10], $0x80, v2, vm1, $0xb8;
	[tilespmem:$0x10200] =	vst v63  }
0x132: {  	s16 =	simm.s32 @!p0 $0xD200  }
0x133: {  	[tilespmem:s16], [sflag:$0x8] =	stream.indirect_vreg.gather @!p0 [hbm4b:s7+s10], $0x80, v2, vm1, $0xb8;
	[tilespmem:$0x10200] =	vst v63  }
0x134: {  	s16 =	rddreg [dreg:$0x4]  }
0x135: {  	s20 =	simm.s32 @!p0 $0xDA00;
	s16 =	sadd.s32 s9, s16;
	s9 =	sadd.s32 $0x2000, s9  }
0x136: {  	[tilespmem:s20], [sflag:$0x8] =	stream.indirect_vreg.gather @!p0 [hbm4b:s8+s10], $0x80, v2, vm1, $0xb8;
	[tilespmem:$0x10200] =	vst v63  }
0x137: {  	p0 =	sne.s32 s9, $0x10000  }
.Ltmp0:
0x138: {  	_ = 	snop;
	(pc) =	sbr.rel @p0 .LBB2_2-.Ltmp0, $3  }
0x139: {  	_ =	sdelay $0x1  }
0x13a: {  	s21 =	sadd.s32 $0x40, s21;
	s20 =	simm.s32 $0x200  }
0x13b: {  	[hbm4b:s16+s3] =	stream.linear.scatter [tilespmem:s23], [sflag:$0x11], $0x2000, $0x38;
	[tilespmem:$0x10200] =	vst v63  }
0x13c: {  	s2 =	simm.s32 $0x11  }
0x13d: {  	_ =	swait.ge [sflag:s2], $0x2000  }
0x13e: {  	s10 =	rddreg [dreg:$0x12]  }
0x13f: {  	s9 =	rddreg [dreg:$0x11];
	s10 =	sadd.s32 $0x1, s10  }
0x140: {  	p0 =	sne.s32 s10, s9  }
.Ltmp1:
0x141: {  	_ = 	snop;
	(pc) =	sbr.rel @p0 .LBB2_1-.Ltmp1, $4  }
0x142: {  	_ = 	snop  }
0x143: {  	s11 =	simm.s32 $0x2200;
	s16 =	simm.s32 $0x4200  }
0x144: {  	s21 =	simm.s32 $0x6200;
	s15 =	simm.s32 $0xA200;
	[sflag:s2] =	ssyncset.done $0x0  }
0x145: {  	s24 =	simm.s32 $0xC200;
	[sflag:s2] =	ssyncadd.s32 $0xFFFFE000;
	s2 =	simm.s32 $0x8200  }
0x146: {  	_ =	sfence.sel $0x180000  }
0x147: {  	[bflag:$0x0] =	sbarrier.arrive $0xFFFF  }
0x148: {  	_ =	strace $0x90000047  }
0x149: {  	s0 =	stileid.u32;
	[bflag:$0x2] =	sbarrier.arrive $0xFFFF  }
0x14a: {  	p0 =	sne.s32 s0, $0x0;
	s0 =	rddreg [dreg:$0x3]  }
0x14b: {  	s0 =	sadd.s32 @!p0 $0x100000, s0  }
0x14c: {  	[sflag:s0] =	ssyncadd.tile.s32 @!p0 $0x1;
	_ =	shalt  }
.Lfunc_end2:
_tile_overlayer_lowered:
.L_overlay_start_2:
0x14d: {  	(tag) =	ssettag $0x2  }
0x14e: {  	s0 =	rddreg [dreg:$0x0];
	s2 =	stileid.u32  }
0x14f: {  	s1 =	rddreg [dreg:$0x1];
	p0 =	sne.s32 s2, $0x0  }
0x150: {  	s3 =	rddreg [dreg:$0x2];
	[bflag:$0x3] =	sbarrier.arrive $0xFFFF;
	s2 =	simm.s32 @!p0 $0x1C12  }
0x151: {  	[timem:s3], [sflag:s2] =	dma.local @!p0 [hbm:s0], s1  }
0x152: {  	s0 =	simm.s32 @!p0 $0x12  }
0x153: {  	_ =	swait.ge @!p0 [sflag:s0], s1  }
0x154: {  	s1 =	ssub.s32 @!p0 $0x0, s1;
	[sflag:s0] =	ssyncset.done @!p0 $0x0  }
0x155: {  	[sflag:s0] =	ssyncadd.s32 @!p0 s1  }
0x156: {  	[bflag:$0x3] =	sbarrier.arrive $0xFFFF  }
0x157: {  	_ =	shalt  }

</sc_bundles>
